<compile_context>
chip_gen: v7x
topology: tpu7x:2x2x1
jax: 0.10.2.dev20260603
libtpu: 0.0.44.dev20260713+nightly
codegen_flags: <defaults>
</compile_context>

<pallas_src>
import functools
import math

import jax
import jax.numpy as jnp
from jax import lax
from jax.experimental import pallas as pl
from jax.experimental.pallas import tpu as pltpu
from jax.experimental.pallas import tpu_sc as plsc

N_EMBD = 64
SCALE = math.sqrt(N_EMBD)

NC = 2
NS = 16
NW = NC * NS
SEQ = 200
SPLITS = ((0, 104), (104, 96))
R = 4
LANES = 16


@jax.jit
def _emb_lookup(lut, x):
    n_rows = x.shape[0]
    rows_per_w = n_rows // NW
    n_chunks = rows_per_w // R
    mesh = plsc.VectorSubcoreMesh(core_axis_name="c", subcore_axis_name="s")

    @functools.partial(
        pl.kernel,
        mesh=mesh,
        compiler_params=pltpu.CompilerParams(use_tc_tiling_on_sc=False),
        out_type=jax.ShapeDtypeStruct((n_rows, SEQ, N_EMBD), jnp.float32),
        scratch_types=[
            pltpu.VMEM((rows_per_w, SEQ), jnp.int32),
            pltpu.VMEM((R, SEQ, N_EMBD), jnp.float32),
            pltpu.SemaphoreType.DMA,
        ],
    )
    def k(lut_hbm, x_hbm, out_hbm, idx_v, rows_v, sem):
        wid = lax.axis_index("s") * NC + lax.axis_index("c")
        row0 = wid * rows_per_w
        pltpu.sync_copy(x_hbm.at[pl.ds(row0, rows_per_w)], idx_v)

        def chunk_body(g, carry):
            cps = []
            for r in range(R):
                for off, width in SPLITS:
                    cps.append(
                        pltpu.async_copy(
                            lut_hbm.at[idx_v.at[g * R + r, pl.ds(off, width)]],
                            rows_v.at[r, pl.ds(off, width)],
                            sem,
                        )
                    )
            for cp in cps:
                cp.wait()

            def scale_pos(p, carry2):
                for r in range(R):
                    for j in range(N_EMBD // LANES):
                        sl = pl.ds(j * LANES, LANES)
                        rows_v[r, p, sl] = rows_v[r, p, sl] * SCALE
                return carry2

            lax.fori_loop(0, SEQ, scale_pos, 0)
            pltpu.sync_copy(rows_v, out_hbm.at[pl.ds(row0 + g * R, R)])
            return carry

        lax.fori_loop(0, n_chunks, chunk_body, 0)

    return k(lut, x)


def kernel(x, lut):
    return _emb_lookup(lut, x)

# --- scband reference (transcript-rebuilt; emitter-appended) ---
"""Pipeline reference for scband-word-embedding-57217554317725 (READ-ONLY COPY).

The authoritative reference and input builder live on the scoring server;
editing this copy changes nothing except your own understanding.
"""

import math
import jax, jax.numpy as jnp
import numpy as np

VOCAB = 1000000
N_EMBD = 64

def setup_inputs(seed: int = 0) -> dict:
    key = jax.random.key(seed)
    k_idx, k_tab = jax.random.split(key)
    x = jax.random.randint(k_idx, (4096, 200), 0, VOCAB, dtype=jnp.int64 if jax.config.jax_enable_x64 else jnp.int32).astype(jnp.int32)
    lut = jax.random.normal(k_tab, (VOCAB, N_EMBD), dtype=jnp.float32) * 0.02
    return {"x": x, "lut": lut}

def reference(x, lut):
    # WordEmbedding.forward: self.lut(x) * sqrt(n_embd)
    emb = jnp.take(lut, x, axis=0)
    return emb * math.sqrt(N_EMBD)

if __name__ == "__main__":
    import jax
    _d = setup_inputs()
    print(jax.jit(kernel)(*tuple(_d.values())))

</pallas_src>

<mosaic_0001>
#map = affine_map<(d0, d1) -> (0, 0)>
#map1 = affine_map<(d0, d1) -> (0, 0, 0)>
module attributes {stable_mosaic.version = 14 : i64} {
  func.func @k(%arg0: i32, %arg1: i32, %arg2: memref<1000000x64xf32, #tpu.memory_space<hbm>>, %arg3: memref<4096x200xi32, #tpu.memory_space<hbm>>, %arg4: memref<4096x200x64xf32, #tpu.memory_space<hbm>>, %arg5: memref<128x200xi32, #tpu.memory_space<vmem>>, %arg6: memref<4x200x64xf32, #tpu.memory_space<vmem>>, %arg7: memref<!tpu.dma_semaphore, #tpu.memory_space<semaphore_mem>>) attributes {dimension_semantics = [#tpu.dimension_semantics<core_parallel>, #tpu.dimension_semantics<subcore_parallel>], iteration_bounds = array<i64: 2, 16>, scalar_prefetch = 0 : i64, scratch_operands = 3 : i64, tpu.core_type = #tpu.core_type<sc_vector_subcore>, window_params = [{transform_indices = #map}, {transform_indices = #map}, {transform_indices = #map1}]} {
    %mul3A = arith.constant 2 : i32
    %mul3A_0 = arith.muli %arg1, %mul3A : i32
    %add3A = arith.addi %mul3A_0, %arg0 : i32
    %mul3A_1 = arith.constant 128 : i32
    %mul3A_2 = arith.muli %add3A, %mul3A_1 : i32
    "tpu.region"() ({
      %run_scoped3A = tpu.sem_alloc : memref<!tpu.dma_semaphore, #tpu.memory_space<semaphore_mem>>
      %dma_start3A = arith.constant 0 : i32
      %dma_start3A_8 = tpu.memref_slice %arg3[%mul3A_2, %dma_start3A] : memref<4096x200xi32, #tpu.memory_space<hbm>> -> memref<128x200xi32, #tpu.memory_space<hbm>>
      %dma_start3A_9 = arith.constant 0 : i32
      %dma_start3A_10 = tpu.memref_slice %arg3[%mul3A_2, %dma_start3A_9] : memref<4096x200xi32, #tpu.memory_space<hbm>> -> memref<128x200xi32, #tpu.memory_space<hbm>>
      tpu.enqueue_dma source(%dma_start3A_10 : memref<128x200xi32, #tpu.memory_space<hbm>>) target(%arg5 : memref<128x200xi32, #tpu.memory_space<vmem>>) target_semaphore(%run_scoped3A : memref<!tpu.dma_semaphore, #tpu.memory_space<semaphore_mem>>)
      %dma_wait3A = arith.constant 0 : i32
      %dma_wait3A_11 = tpu.memref_slice %arg3[%mul3A_2, %dma_wait3A] : memref<4096x200xi32, #tpu.memory_space<hbm>> -> memref<128x200xi32, #tpu.memory_space<hbm>>
      %dma_wait3A_12 = arith.constant 0 : i32
      %dma_wait3A_13 = tpu.memref_slice %arg3[%mul3A_2, %dma_wait3A_12] : memref<4096x200xi32, #tpu.memory_space<hbm>> -> memref<128x200xi32, #tpu.memory_space<hbm>>
      tpu.wait_dma2 semaphore(%run_scoped3A : memref<!tpu.dma_semaphore, #tpu.memory_space<semaphore_mem>>) src(%dma_wait3A_13 : memref<128x200xi32, #tpu.memory_space<hbm>>) dst(%arg5 : memref<128x200xi32, #tpu.memory_space<vmem>>)
      tpu.yield
    }) : () -> ()
    %scan3A = arith.constant 0 : i32
    %scan3A_3 = arith.constant 0 : i32
    %scan3A_4 = arith.constant 32 : i32
    %scan3A_5 = arith.addi %scan3A_3, %scan3A_4 : i32
    %scan3A_6 = arith.constant 1 : i32
    scf.for %scan3A_8 = %scan3A_3 to %scan3A_5 step %scan3A_6  : i32 {
      %mul3A_9 = arith.constant 4 : i32
      %mul3A_10 = arith.muli %scan3A_8, %mul3A_9 : i32
      %add3A_11 = arith.constant 0 : i32
      %add3A_12 = arith.addi %mul3A_10, %add3A_11 : i32
      %dma_start3A = arith.constant 0 : i32
      %dma_start3A_13 = arith.constant 0 : i32
      %dma_start3A_14 = arith.constant 0 : i32
      %dma_start3A_15 = tpu.memref_slice %arg6[%dma_start3A, %dma_start3A_13, %dma_start3A_14] : memref<4x200x64xf32, #tpu.memory_space<vmem>> -> memref<1x104x64xf32, #tpu.memory_space<vmem>>
      %dma_start3A_16 = tpu.memref_squeeze %dma_start3A_15 : memref<1x104x64xf32, #tpu.memory_space<vmem>> -> memref<104x64xf32, #tpu.memory_space<vmem>>
      %dma_start3A_17 = arith.constant 0 : i32
      %dma_start3A_18 = tpu.memref_slice %arg5[%add3A_12, %dma_start3A_17] : memref<128x200xi32, #tpu.memory_space<vmem>> -> memref<1x104xi32, #tpu.memory_space<vmem>>
      %dma_start3A_19 = tpu.memref_squeeze %dma_start3A_18 : memref<1x104xi32, #tpu.memory_space<vmem>> -> memref<104xi32, #tpu.memory_space<vmem>>
      %dma_start3A_20 = arith.constant 0 : i32
      %dma_start3A_21 = arith.constant 0 : i32
      %dma_start3A_22 = tpu.memref_slice %arg2[%dma_start3A_20, %dma_start3A_21] : memref<1000000x64xf32, #tpu.memory_space<hbm>> -> memref<1000000x64xf32, #tpu.memory_space<hbm>>
      tpu.enqueue_indirect_dma source(%dma_start3A_22 : memref<1000000x64xf32, #tpu.memory_space<hbm>>) target(%dma_start3A_16 : memref<104x64xf32, #tpu.memory_space<vmem>>) offsets(%dma_start3A_19 : memref<104xi32, #tpu.memory_space<vmem>>) semaphore(%arg7 : memref<!tpu.dma_semaphore, #tpu.memory_space<semaphore_mem>>)
      %mul3A_23 = arith.constant 4 : i32
      %mul3A_24 = arith.muli %scan3A_8, %mul3A_23 : i32
      %add3A_25 = arith.constant 0 : i32
      %add3A_26 = arith.addi %mul3A_24, %add3A_25 : i32
      %dma_start3A_27 = arith.constant 0 : i32
      %dma_start3A_28 = arith.constant 104 : i32
      %dma_start3A_29 = arith.constant 0 : i32
      %dma_start3A_30 = tpu.memref_slice %arg6[%dma_start3A_27, %dma_start3A_28, %dma_start3A_29] : memref<4x200x64xf32, #tpu.memory_space<vmem>> -> memref<1x96x64xf32, #tpu.memory_space<vmem>>
      %dma_start3A_31 = tpu.memref_squeeze %dma_start3A_30 : memref<1x96x64xf32, #tpu.memory_space<vmem>> -> memref<96x64xf32, #tpu.memory_space<vmem>>
      %dma_start3A_32 = arith.constant 104 : i32
      %dma_start3A_33 = tpu.memref_slice %arg5[%add3A_26, %dma_start3A_32] : memref<128x200xi32, #tpu.memory_space<vmem>> -> memref<1x96xi32, #tpu.memory_space<vmem>>
      %dma_start3A_34 = tpu.memref_squeeze %dma_start3A_33 : memref<1x96xi32, #tpu.memory_space<vmem>> -> memref<96xi32, #tpu.memory_space<vmem>>
      %dma_start3A_35 = arith.constant 0 : i32
      %dma_start3A_36 = arith.constant 0 : i32
      %dma_start3A_37 = tpu.memref_slice %arg2[%dma_start3A_35, %dma_start3A_36] : memref<1000000x64xf32, #tpu.memory_space<hbm>> -> memref<1000000x64xf32, #tpu.memory_space<hbm>>
      tpu.enqueue_indirect_dma source(%dma_start3A_37 : memref<1000000x64xf32, #tpu.memory_space<hbm>>) target(%dma_start3A_31 : memref<96x64xf32, #tpu.memory_space<vmem>>) offsets(%dma_start3A_34 : memref<96xi32, #tpu.memory_space<vmem>>) semaphore(%arg7 : memref<!tpu.dma_semaphore, #tpu.memory_space<semaphore_mem>>)
      %mul3A_38 = arith.constant 4 : i32
      %mul3A_39 = arith.muli %scan3A_8, %mul3A_38 : i32
      %add3A_40 = arith.constant 1 : i32
      %add3A_41 = arith.addi %mul3A_39, %add3A_40 : i32
      %dma_start3A_42 = arith.constant 1 : i32
      %dma_start3A_43 = arith.constant 0 : i32
      %dma_start3A_44 = arith.constant 0 : i32
      %dma_start3A_45 = tpu.memref_slice %arg6[%dma_start3A_42, %dma_start3A_43, %dma_start3A_44] : memref<4x200x64xf32, #tpu.memory_space<vmem>> -> memref<1x104x64xf32, #tpu.memory_space<vmem>>
      %dma_start3A_46 = tpu.memref_squeeze %dma_start3A_45 : memref<1x104x64xf32, #tpu.memory_space<vmem>> -> memref<104x64xf32, #tpu.memory_space<vmem>>
      %dma_start3A_47 = arith.constant 0 : i32
      %dma_start3A_48 = tpu.memref_slice %arg5[%add3A_41, %dma_start3A_47] : memref<128x200xi32, #tpu.memory_space<vmem>> -> memref<1x104xi32, #tpu.memory_space<vmem>>
      %dma_start3A_49 = tpu.memref_squeeze %dma_start3A_48 : memref<1x104xi32, #tpu.memory_space<vmem>> -> memref<104xi32, #tpu.memory_space<vmem>>
      %dma_start3A_50 = arith.constant 0 : i32
      %dma_start3A_51 = arith.constant 0 : i32
      %dma_start3A_52 = tpu.memref_slice %arg2[%dma_start3A_50, %dma_start3A_51] : memref<1000000x64xf32, #tpu.memory_space<hbm>> -> memref<1000000x64xf32, #tpu.memory_space<hbm>>
      tpu.enqueue_indirect_dma source(%dma_start3A_52 : memref<1000000x64xf32, #tpu.memory_space<hbm>>) target(%dma_start3A_46 : memref<104x64xf32, #tpu.memory_space<vmem>>) offsets(%dma_start3A_49 : memref<104xi32, #tpu.memory_space<vmem>>) semaphore(%arg7 : memref<!tpu.dma_semaphore, #tpu.memory_space<semaphore_mem>>)
      %mul3A_53 = arith.constant 4 : i32
      %mul3A_54 = arith.muli %scan3A_8, %mul3A_53 : i32
      %add3A_55 = arith.constant 1 : i32
      %add3A_56 = arith.addi %mul3A_54, %add3A_55 : i32
      %dma_start3A_57 = arith.constant 1 : i32
      %dma_start3A_58 = arith.constant 104 : i32
      %dma_start3A_59 = arith.constant 0 : i32
      %dma_start3A_60 = tpu.memref_slice %arg6[%dma_start3A_57, %dma_start3A_58, %dma_start3A_59] : memref<4x200x64xf32, #tpu.memory_space<vmem>> -> memref<1x96x64xf32, #tpu.memory_space<vmem>>
      %dma_start3A_61 = tpu.memref_squeeze %dma_start3A_60 : memref<1x96x64xf32, #tpu.memory_space<vmem>> -> memref<96x64xf32, #tpu.memory_space<vmem>>
      %dma_start3A_62 = arith.constant 104 : i32
      %dma_start3A_63 = tpu.memref_slice %arg5[%add3A_56, %dma_start3A_62] : memref<128x200xi32, #tpu.memory_space<vmem>> -> memref<1x96xi32, #tpu.memory_space<vmem>>
      %dma_start3A_64 = tpu.memref_squeeze %dma_start3A_63 : memref<1x96xi32, #tpu.memory_space<vmem>> -> memref<96xi32, #tpu.memory_space<vmem>>
      %dma_start3A_65 = arith.constant 0 : i32
      %dma_start3A_66 = arith.constant 0 : i32
      %dma_start3A_67 = tpu.memref_slice %arg2[%dma_start3A_65, %dma_start3A_66] : memref<1000000x64xf32, #tpu.memory_space<hbm>> -> memref<1000000x64xf32, #tpu.memory_space<hbm>>
      tpu.enqueue_indirect_dma source(%dma_start3A_67 : memref<1000000x64xf32, #tpu.memory_space<hbm>>) target(%dma_start3A_61 : memref<96x64xf32, #tpu.memory_space<vmem>>) offsets(%dma_start3A_64 : memref<96xi32, #tpu.memory_space<vmem>>) semaphore(%arg7 : memref<!tpu.dma_semaphore, #tpu.memory_space<semaphore_mem>>)
      %mul3A_68 = arith.constant 4 : i32
      %mul3A_69 = arith.muli %scan3A_8, %mul3A_68 : i32
      %add3A_70 = arith.constant 2 : i32
      %add3A_71 = arith.addi %mul3A_69, %add3A_70 : i32
      %dma_start3A_72 = arith.constant 2 : i32
      %dma_start3A_73 = arith.constant 0 : i32
      %dma_start3A_74 = arith.constant 0 : i32
      %dma_start3A_75 = tpu.memref_slice %arg6[%dma_start3A_72, %dma_start3A_73, %dma_start3A_74] : memref<4x200x64xf32, #tpu.memory_space<vmem>> -> memref<1x104x64xf32, #tpu.memory_space<vmem>>
      %dma_start3A_76 = tpu.memref_squeeze %dma_start3A_75 : memref<1x104x64xf32, #tpu.memory_space<vmem>> -> memref<104x64xf32, #tpu.memory_space<vmem>>
      %dma_start3A_77 = arith.constant 0 : i32
      %dma_start3A_78 = tpu.memref_slice %arg5[%add3A_71, %dma_start3A_77] : memref<128x200xi32, #tpu.memory_space<vmem>> -> memref<1x104xi32, #tpu.memory_space<vmem>>
      %dma_start3A_79 = tpu.memref_squeeze %dma_start3A_78 : memref<1x104xi32, #tpu.memory_space<vmem>> -> memref<104xi32, #tpu.memory_space<vmem>>
      %dma_start3A_80 = arith.constant 0 : i32
      %dma_start3A_81 = arith.constant 0 : i32
      %dma_start3A_82 = tpu.memref_slice %arg2[%dma_start3A_80, %dma_start3A_81] : memref<1000000x64xf32, #tpu.memory_space<hbm>> -> memref<1000000x64xf32, #tpu.memory_space<hbm>>
      tpu.enqueue_indirect_dma source(%dma_start3A_82 : memref<1000000x64xf32, #tpu.memory_space<hbm>>) target(%dma_start3A_76 : memref<104x64xf32, #tpu.memory_space<vmem>>) offsets(%dma_start3A_79 : memref<104xi32, #tpu.memory_space<vmem>>) semaphore(%arg7 : memref<!tpu.dma_semaphore, #tpu.memory_space<semaphore_mem>>)
      %mul3A_83 = arith.constant 4 : i32
      %mul3A_84 = arith.muli %scan3A_8, %mul3A_83 : i32
      %add3A_85 = arith.constant 2 : i32
      %add3A_86 = arith.addi %mul3A_84, %add3A_85 : i32
      %dma_start3A_87 = arith.constant 2 : i32
      %dma_start3A_88 = arith.constant 104 : i32
      %dma_start3A_89 = arith.constant 0 : i32
      %dma_start3A_90 = tpu.memref_slice %arg6[%dma_start3A_87, %dma_start3A_88, %dma_start3A_89] : memref<4x200x64xf32, #tpu.memory_space<vmem>> -> memref<1x96x64xf32, #tpu.memory_space<vmem>>
      %dma_start3A_91 = tpu.memref_squeeze %dma_start3A_90 : memref<1x96x64xf32, #tpu.memory_space<vmem>> -> memref<96x64xf32, #tpu.memory_space<vmem>>
      %dma_start3A_92 = arith.constant 104 : i32
      %dma_start3A_93 = tpu.memref_slice %arg5[%add3A_86, %dma_start3A_92] : memref<128x200xi32, #tpu.memory_space<vmem>> -> memref<1x96xi32, #tpu.memory_space<vmem>>
      %dma_start3A_94 = tpu.memref_squeeze %dma_start3A_93 : memref<1x96xi32, #tpu.memory_space<vmem>> -> memref<96xi32, #tpu.memory_space<vmem>>
      %dma_start3A_95 = arith.constant 0 : i32
      %dma_start3A_96 = arith.constant 0 : i32
      %dma_start3A_97 = tpu.memref_slice %arg2[%dma_start3A_95, %dma_start3A_96] : memref<1000000x64xf32, #tpu.memory_space<hbm>> -> memref<1000000x64xf32, #tpu.memory_space<hbm>>
      tpu.enqueue_indirect_dma source(%dma_start3A_97 : memref<1000000x64xf32, #tpu.memory_space<hbm>>) target(%dma_start3A_91 : memref<96x64xf32, #tpu.memory_space<vmem>>) offsets(%dma_start3A_94 : memref<96xi32, #tpu.memory_space<vmem>>) semaphore(%arg7 : memref<!tpu.dma_semaphore, #tpu.memory_space<semaphore_mem>>)
      %mul3A_98 = arith.constant 4 : i32
      %mul3A_99 = arith.muli %scan3A_8, %mul3A_98 : i32
      %add3A_100 = arith.constant 3 : i32
      %add3A_101 = arith.addi %mul3A_99, %add3A_100 : i32
      %dma_start3A_102 = arith.constant 3 : i32
      %dma_start3A_103 = arith.constant 0 : i32
      %dma_start3A_104 = arith.constant 0 : i32
      %dma_start3A_105 = tpu.memref_slice %arg6[%dma_start3A_102, %dma_start3A_103, %dma_start3A_104] : memref<4x200x64xf32, #tpu.memory_space<vmem>> -> memref<1x104x64xf32, #tpu.memory_space<vmem>>
      %dma_start3A_106 = tpu.memref_squeeze %dma_start3A_105 : memref<1x104x64xf32, #tpu.memory_space<vmem>> -> memref<104x64xf32, #tpu.memory_space<vmem>>
      %dma_start3A_107 = arith.constant 0 : i32
      %dma_start3A_108 = tpu.memref_slice %arg5[%add3A_101, %dma_start3A_107] : memref<128x200xi32, #tpu.memory_space<vmem>> -> memref<1x104xi32, #tpu.memory_space<vmem>>
      %dma_start3A_109 = tpu.memref_squeeze %dma_start3A_108 : memref<1x104xi32, #tpu.memory_space<vmem>> -> memref<104xi32, #tpu.memory_space<vmem>>
      %dma_start3A_110 = arith.constant 0 : i32
      %dma_start3A_111 = arith.constant 0 : i32
      %dma_start3A_112 = tpu.memref_slice %arg2[%dma_start3A_110, %dma_start3A_111] : memref<1000000x64xf32, #tpu.memory_space<hbm>> -> memref<1000000x64xf32, #tpu.memory_space<hbm>>
      tpu.enqueue_indirect_dma source(%dma_start3A_112 : memref<1000000x64xf32, #tpu.memory_space<hbm>>) target(%dma_start3A_106 : memref<104x64xf32, #tpu.memory_space<vmem>>) offsets(%dma_start3A_109 : memref<104xi32, #tpu.memory_space<vmem>>) semaphore(%arg7 : memref<!tpu.dma_semaphore, #tpu.memory_space<semaphore_mem>>)
      %mul3A_113 = arith.constant 4 : i32
      %mul3A_114 = arith.muli %scan3A_8, %mul3A_113 : i32
      %add3A_115 = arith.constant 3 : i32
      %add3A_116 = arith.addi %mul3A_114, %add3A_115 : i32
      %dma_start3A_117 = arith.constant 3 : i32
      %dma_start3A_118 = arith.constant 104 : i32
      %dma_start3A_119 = arith.constant 0 : i32
      %dma_start3A_120 = tpu.memref_slice %arg6[%dma_start3A_117, %dma_start3A_118, %dma_start3A_119] : memref<4x200x64xf32, #tpu.memory_space<vmem>> -> memref<1x96x64xf32, #tpu.memory_space<vmem>>
      %dma_start3A_121 = tpu.memref_squeeze %dma_start3A_120 : memref<1x96x64xf32, #tpu.memory_space<vmem>> -> memref<96x64xf32, #tpu.memory_space<vmem>>
      %dma_start3A_122 = arith.constant 104 : i32
      %dma_start3A_123 = tpu.memref_slice %arg5[%add3A_116, %dma_start3A_122] : memref<128x200xi32, #tpu.memory_space<vmem>> -> memref<1x96xi32, #tpu.memory_space<vmem>>
      %dma_start3A_124 = tpu.memref_squeeze %dma_start3A_123 : memref<1x96xi32, #tpu.memory_space<vmem>> -> memref<96xi32, #tpu.memory_space<vmem>>
      %dma_start3A_125 = arith.constant 0 : i32
      %dma_start3A_126 = arith.constant 0 : i32
      %dma_start3A_127 = tpu.memref_slice %arg2[%dma_start3A_125, %dma_start3A_126] : memref<1000000x64xf32, #tpu.memory_space<hbm>> -> memref<1000000x64xf32, #tpu.memory_space<hbm>>
      tpu.enqueue_indirect_dma source(%dma_start3A_127 : memref<1000000x64xf32, #tpu.memory_space<hbm>>) target(%dma_start3A_121 : memref<96x64xf32, #tpu.memory_space<vmem>>) offsets(%dma_start3A_124 : memref<96xi32, #tpu.memory_space<vmem>>) semaphore(%arg7 : memref<!tpu.dma_semaphore, #tpu.memory_space<semaphore_mem>>)
      %dma_wait3A = arith.constant 0 : i32
      %dma_wait3A_128 = arith.constant 0 : i32
      %dma_wait3A_129 = arith.constant 0 : i32
      %dma_wait3A_130 = tpu.memref_slice %arg6[%dma_wait3A, %dma_wait3A_128, %dma_wait3A_129] : memref<4x200x64xf32, #tpu.memory_space<vmem>> -> memref<1x104x64xf32, #tpu.memory_space<vmem>>
      %dma_wait3A_131 = tpu.memref_squeeze %dma_wait3A_130 : memref<1x104x64xf32, #tpu.memory_space<vmem>> -> memref<104x64xf32, #tpu.memory_space<vmem>>
      %dma_wait3A_132 = arith.constant 0 : i32
      %dma_wait3A_133 = tpu.memref_slice %arg5[%add3A_12, %dma_wait3A_132] : memref<128x200xi32, #tpu.memory_space<vmem>> -> memref<1x104xi32, #tpu.memory_space<vmem>>
      %dma_wait3A_134 = tpu.memref_squeeze %dma_wait3A_133 : memref<1x104xi32, #tpu.memory_space<vmem>> -> memref<104xi32, #tpu.memory_space<vmem>>
      %dma_wait3A_135 = arith.constant 0 : i32
      %dma_wait3A_136 = arith.constant 0 : i32
      %dma_wait3A_137 = tpu.memref_slice %arg2[%dma_wait3A_135, %dma_wait3A_136] : memref<1000000x64xf32, #tpu.memory_space<hbm>> -> memref<1000000x64xf32, #tpu.memory_space<hbm>>
      tpu.wait_indirect_dma semaphore(%arg7 : memref<!tpu.dma_semaphore, #tpu.memory_space<semaphore_mem>>) src(%dma_wait3A_137 : memref<1000000x64xf32, #tpu.memory_space<hbm>>) dst(%dma_wait3A_131 : memref<104x64xf32, #tpu.memory_space<vmem>>)
      %dma_wait3A_138 = arith.constant 0 : i32
      %dma_wait3A_139 = arith.constant 104 : i32
      %dma_wait3A_140 = arith.constant 0 : i32
      %dma_wait3A_141 = tpu.memref_slice %arg6[%dma_wait3A_138, %dma_wait3A_139, %dma_wait3A_140] : memref<4x200x64xf32, #tpu.memory_space<vmem>> -> memref<1x96x64xf32, #tpu.memory_space<vmem>>
      %dma_wait3A_142 = tpu.memref_squeeze %dma_wait3A_141 : memref<1x96x64xf32, #tpu.memory_space<vmem>> -> memref<96x64xf32, #tpu.memory_space<vmem>>
      %dma_wait3A_143 = arith.constant 104 : i32
      %dma_wait3A_144 = tpu.memref_slice %arg5[%add3A_26, %dma_wait3A_143] : memref<128x200xi32, #tpu.memory_space<vmem>> -> memref<1x96xi32, #tpu.memory_space<vmem>>
      %dma_wait3A_145 = tpu.memref_squeeze %dma_wait3A_144 : memref<1x96xi32, #tpu.memory_space<vmem>> -> memref<96xi32, #tpu.memory_space<vmem>>
      %dma_wait3A_146 = arith.constant 0 : i32
      %dma_wait3A_147 = arith.constant 0 : i32
      %dma_wait3A_148 = tpu.memref_slice %arg2[%dma_wait3A_146, %dma_wait3A_147] : memref<1000000x64xf32, #tpu.memory_space<hbm>> -> memref<1000000x64xf32, #tpu.memory_space<hbm>>
      tpu.wait_indirect_dma semaphore(%arg7 : memref<!tpu.dma_semaphore, #tpu.memory_space<semaphore_mem>>) src(%dma_wait3A_148 : memref<1000000x64xf32, #tpu.memory_space<hbm>>) dst(%dma_wait3A_142 : memref<96x64xf32, #tpu.memory_space<vmem>>)
      %dma_wait3A_149 = arith.constant 1 : i32
      %dma_wait3A_150 = arith.constant 0 : i32
      %dma_wait3A_151 = arith.constant 0 : i32
      %dma_wait3A_152 = tpu.memref_slice %arg6[%dma_wait3A_149, %dma_wait3A_150, %dma_wait3A_151] : memref<4x200x64xf32, #tpu.memory_space<vmem>> -> memref<1x104x64xf32, #tpu.memory_space<vmem>>
      %dma_wait3A_153 = tpu.memref_squeeze %dma_wait3A_152 : memref<1x104x64xf32, #tpu.memory_space<vmem>> -> memref<104x64xf32, #tpu.memory_space<vmem>>
      %dma_wait3A_154 = arith.constant 0 : i32
      %dma_wait3A_155 = tpu.memref_slice %arg5[%add3A_41, %dma_wait3A_154] : memref<128x200xi32, #tpu.memory_space<vmem>> -> memref<1x104xi32, #tpu.memory_space<vmem>>
      %dma_wait3A_156 = tpu.memref_squeeze %dma_wait3A_155 : memref<1x104xi32, #tpu.memory_space<vmem>> -> memref<104xi32, #tpu.memory_space<vmem>>
      %dma_wait3A_157 = arith.constant 0 : i32
      %dma_wait3A_158 = arith.constant 0 : i32
      %dma_wait3A_159 = tpu.memref_slice %arg2[%dma_wait3A_157, %dma_wait3A_158] : memref<1000000x64xf32, #tpu.memory_space<hbm>> -> memref<1000000x64xf32, #tpu.memory_space<hbm>>
      tpu.wait_indirect_dma semaphore(%arg7 : memref<!tpu.dma_semaphore, #tpu.memory_space<semaphore_mem>>) src(%dma_wait3A_159 : memref<1000000x64xf32, #tpu.memory_space<hbm>>) dst(%dma_wait3A_153 : memref<104x64xf32, #tpu.memory_space<vmem>>)
      %dma_wait3A_160 = arith.constant 1 : i32
      %dma_wait3A_161 = arith.constant 104 : i32
      %dma_wait3A_162 = arith.constant 0 : i32
      %dma_wait3A_163 = tpu.memref_slice %arg6[%dma_wait3A_160, %dma_wait3A_161, %dma_wait3A_162] : memref<4x200x64xf32, #tpu.memory_space<vmem>> -> memref<1x96x64xf32, #tpu.memory_space<vmem>>
      %dma_wait3A_164 = tpu.memref_squeeze %dma_wait3A_163 : memref<1x96x64xf32, #tpu.memory_space<vmem>> -> memref<96x64xf32, #tpu.memory_space<vmem>>
      %dma_wait3A_165 = arith.constant 104 : i32
      %dma_wait3A_166 = tpu.memref_slice %arg5[%add3A_56, %dma_wait3A_165] : memref<128x200xi32, #tpu.memory_space<vmem>> -> memref<1x96xi32, #tpu.memory_space<vmem>>
      %dma_wait3A_167 = tpu.memref_squeeze %dma_wait3A_166 : memref<1x96xi32, #tpu.memory_space<vmem>> -> memref<96xi32, #tpu.memory_space<vmem>>
      %dma_wait3A_168 = arith.constant 0 : i32
      %dma_wait3A_169 = arith.constant 0 : i32
      %dma_wait3A_170 = tpu.memref_slice %arg2[%dma_wait3A_168, %dma_wait3A_169] : memref<1000000x64xf32, #tpu.memory_space<hbm>> -> memref<1000000x64xf32, #tpu.memory_space<hbm>>
      tpu.wait_indirect_dma semaphore(%arg7 : memref<!tpu.dma_semaphore, #tpu.memory_space<semaphore_mem>>) src(%dma_wait3A_170 : memref<1000000x64xf32, #tpu.memory_space<hbm>>) dst(%dma_wait3A_164 : memref<96x64xf32, #tpu.memory_space<vmem>>)
      %dma_wait3A_171 = arith.constant 2 : i32
      %dma_wait3A_172 = arith.constant 0 : i32
      %dma_wait3A_173 = arith.constant 0 : i32
      %dma_wait3A_174 = tpu.memref_slice %arg6[%dma_wait3A_171, %dma_wait3A_172, %dma_wait3A_173] : memref<4x200x64xf32, #tpu.memory_space<vmem>> -> memref<1x104x64xf32, #tpu.memory_space<vmem>>
      %dma_wait3A_175 = tpu.memref_squeeze %dma_wait3A_174 : memref<1x104x64xf32, #tpu.memory_space<vmem>> -> memref<104x64xf32, #tpu.memory_space<vmem>>
      %dma_wait3A_176 = arith.constant 0 : i32
      %dma_wait3A_177 = tpu.memref_slice %arg5[%add3A_71, %dma_wait3A_176] : memref<128x200xi32, #tpu.memory_space<vmem>> -> memref<1x104xi32, #tpu.memory_space<vmem>>
      %dma_wait3A_178 = tpu.memref_squeeze %dma_wait3A_177 : memref<1x104xi32, #tpu.memory_space<vmem>> -> memref<104xi32, #tpu.memory_space<vmem>>
      %dma_wait3A_179 = arith.constant 0 : i32
      %dma_wait3A_180 = arith.constant 0 : i32
      %dma_wait3A_181 = tpu.memref_slice %arg2[%dma_wait3A_179, %dma_wait3A_180] : memref<1000000x64xf32, #tpu.memory_space<hbm>> -> memref<1000000x64xf32, #tpu.memory_space<hbm>>
      tpu.wait_indirect_dma semaphore(%arg7 : memref<!tpu.dma_semaphore, #tpu.memory_space<semaphore_mem>>) src(%dma_wait3A_181 : memref<1000000x64xf32, #tpu.memory_space<hbm>>) dst(%dma_wait3A_175 : memref<104x64xf32, #tpu.memory_space<vmem>>)
      %dma_wait3A_182 = arith.constant 2 : i32
      %dma_wait3A_183 = arith.constant 104 : i32
      %dma_wait3A_184 = arith.constant 0 : i32
      %dma_wait3A_185 = tpu.memref_slice %arg6[%dma_wait3A_182, %dma_wait3A_183, %dma_wait3A_184] : memref<4x200x64xf32, #tpu.memory_space<vmem>> -> memref<1x96x64xf32, #tpu.memory_space<vmem>>
      %dma_wait3A_186 = tpu.memref_squeeze %dma_wait3A_185 : memref<1x96x64xf32, #tpu.memory_space<vmem>> -> memref<96x64xf32, #tpu.memory_space<vmem>>
      %dma_wait3A_187 = arith.constant 104 : i32
      %dma_wait3A_188 = tpu.memref_slice %arg5[%add3A_86, %dma_wait3A_187] : memref<128x200xi32, #tpu.memory_space<vmem>> -> memref<1x96xi32, #tpu.memory_space<vmem>>
      %dma_wait3A_189 = tpu.memref_squeeze %dma_wait3A_188 : memref<1x96xi32, #tpu.memory_space<vmem>> -> memref<96xi32, #tpu.memory_space<vmem>>
      %dma_wait3A_190 = arith.constant 0 : i32
      %dma_wait3A_191 = arith.constant 0 : i32
      %dma_wait3A_192 = tpu.memref_slice %arg2[%dma_wait3A_190, %dma_wait3A_191] : memref<1000000x64xf32, #tpu.memory_space<hbm>> -> memref<1000000x64xf32, #tpu.memory_space<hbm>>
      tpu.wait_indirect_dma semaphore(%arg7 : memref<!tpu.dma_semaphore, #tpu.memory_space<semaphore_mem>>) src(%dma_wait3A_192 : memref<1000000x64xf32, #tpu.memory_space<hbm>>) dst(%dma_wait3A_186 : memref<96x64xf32, #tpu.memory_space<vmem>>)
      %dma_wait3A_193 = arith.constant 3 : i32
      %dma_wait3A_194 = arith.constant 0 : i32
      %dma_wait3A_195 = arith.constant 0 : i32
      %dma_wait3A_196 = tpu.memref_slice %arg6[%dma_wait3A_193, %dma_wait3A_194, %dma_wait3A_195] : memref<4x200x64xf32, #tpu.memory_space<vmem>> -> memref<1x104x64xf32, #tpu.memory_space<vmem>>
      %dma_wait3A_197 = tpu.memref_squeeze %dma_wait3A_196 : memref<1x104x64xf32, #tpu.memory_space<vmem>> -> memref<104x64xf32, #tpu.memory_space<vmem>>
      %dma_wait3A_198 = arith.constant 0 : i32
      %dma_wait3A_199 = tpu.memref_slice %arg5[%add3A_101, %dma_wait3A_198] : memref<128x200xi32, #tpu.memory_space<vmem>> -> memref<1x104xi32, #tpu.memory_space<vmem>>
      %dma_wait3A_200 = tpu.memref_squeeze %dma_wait3A_199 : memref<1x104xi32, #tpu.memory_space<vmem>> -> memref<104xi32, #tpu.memory_space<vmem>>
      %dma_wait3A_201 = arith.constant 0 : i32
      %dma_wait3A_202 = arith.constant 0 : i32
      %dma_wait3A_203 = tpu.memref_slice %arg2[%dma_wait3A_201, %dma_wait3A_202] : memref<1000000x64xf32, #tpu.memory_space<hbm>> -> memref<1000000x64xf32, #tpu.memory_space<hbm>>
      tpu.wait_indirect_dma semaphore(%arg7 : memref<!tpu.dma_semaphore, #tpu.memory_space<semaphore_mem>>) src(%dma_wait3A_203 : memref<1000000x64xf32, #tpu.memory_space<hbm>>) dst(%dma_wait3A_197 : memref<104x64xf32, #tpu.memory_space<vmem>>)
      %dma_wait3A_204 = arith.constant 3 : i32
      %dma_wait3A_205 = arith.constant 104 : i32
      %dma_wait3A_206 = arith.constant 0 : i32
      %dma_wait3A_207 = tpu.memref_slice %arg6[%dma_wait3A_204, %dma_wait3A_205, %dma_wait3A_206] : memref<4x200x64xf32, #tpu.memory_space<vmem>> -> memref<1x96x64xf32, #tpu.memory_space<vmem>>
      %dma_wait3A_208 = tpu.memref_squeeze %dma_wait3A_207 : memref<1x96x64xf32, #tpu.memory_space<vmem>> -> memref<96x64xf32, #tpu.memory_space<vmem>>
      %dma_wait3A_209 = arith.constant 104 : i32
      %dma_wait3A_210 = tpu.memref_slice %arg5[%add3A_116, %dma_wait3A_209] : memref<128x200xi32, #tpu.memory_space<vmem>> -> memref<1x96xi32, #tpu.memory_space<vmem>>
      %dma_wait3A_211 = tpu.memref_squeeze %dma_wait3A_210 : memref<1x96xi32, #tpu.memory_space<vmem>> -> memref<96xi32, #tpu.memory_space<vmem>>
      %dma_wait3A_212 = arith.constant 0 : i32
      %dma_wait3A_213 = arith.constant 0 : i32
      %dma_wait3A_214 = tpu.memref_slice %arg2[%dma_wait3A_212, %dma_wait3A_213] : memref<1000000x64xf32, #tpu.memory_space<hbm>> -> memref<1000000x64xf32, #tpu.memory_space<hbm>>
      tpu.wait_indirect_dma semaphore(%arg7 : memref<!tpu.dma_semaphore, #tpu.memory_space<semaphore_mem>>) src(%dma_wait3A_214 : memref<1000000x64xf32, #tpu.memory_space<hbm>>) dst(%dma_wait3A_208 : memref<96x64xf32, #tpu.memory_space<vmem>>)
      %scan3A_215 = arith.constant 0 : i32
      %scan3A_216 = arith.constant 0 : i32
      %scan3A_217 = arith.constant 200 : i32
      %scan3A_218 = arith.addi %scan3A_216, %scan3A_217 : i32
      %scan3A_219 = arith.constant 1 : i32
      scf.for %scan3A_224 = %scan3A_216 to %scan3A_218 step %scan3A_219  : i32 {
        %get3A = arith.constant 0 : i32
        %get3A_225 = arith.index_cast %get3A : i32 to index
        %get3A_226 = arith.index_cast %scan3A_224 : i32 to index
        %get3A_227 = arith.constant 0 : index
        %get3A_228 = tpu.vector_load %arg6[%get3A_225, %get3A_226, %get3A_227] {strides = array<i32>} : memref<4x200x64xf32, #tpu.memory_space<vmem>>, vector<1x1x16xf32>,
        %get3A_229 = vector.shape_cast %get3A_228 : vector<1x1x16xf32> to vector<16xf32>
        %mul3A_230 = arith.constant 8.000000e+00 : f32
        %mul3A_231 = vector.broadcast %mul3A_230 : f32 to vector<16xf32>
        %mul3A_232 = arith.mulf %get3A_229, %mul3A_231 : vector<16xf32>
        %swap3A = arith.constant 0 : i32
        %swap3A_233 = arith.index_cast %swap3A : i32 to index
        %swap3A_234 = arith.index_cast %scan3A_224 : i32 to index
        %swap3A_235 = arith.constant 0 : index
        %swap3A_236 = tpu.vector_load %arg6[%swap3A_233, %swap3A_234, %swap3A_235] {strides = array<i32>} : memref<4x200x64xf32, #tpu.memory_space<vmem>>, vector<1x1x16xf32>,
        %swap3A_237 = vector.shape_cast %swap3A_236 : vector<1x1x16xf32> to vector<16xf32>
        %swap3A_238 = vector.shape_cast %mul3A_232 : vector<16xf32> to vector<1x1x16xf32>
        tpu.vector_store %arg6[%swap3A_233, %swap3A_234, %swap3A_235], %swap3A_238 {strides = array<i32>} : memref<4x200x64xf32, #tpu.memory_space<vmem>>, vector<1x1x16xf32>,
        %get3A_239 = arith.constant 0 : i32
        %get3A_240 = arith.index_cast %get3A_239 : i32 to index
        %get3A_241 = arith.index_cast %scan3A_224 : i32 to index
        %get3A_242 = arith.constant 16 : index
        %get3A_243 = tpu.vector_load %arg6[%get3A_240, %get3A_241, %get3A_242] {strides = array<i32>} : memref<4x200x64xf32, #tpu.memory_space<vmem>>, vector<1x1x16xf32>,
        %get3A_244 = vector.shape_cast %get3A_243 : vector<1x1x16xf32> to vector<16xf32>
        %mul3A_245 = arith.constant 8.000000e+00 : f32
        %mul3A_246 = vector.broadcast %mul3A_245 : f32 to vector<16xf32>
        %mul3A_247 = arith.mulf %get3A_244, %mul3A_246 : vector<16xf32>
        %swap3A_248 = arith.constant 0 : i32
        %swap3A_249 = arith.index_cast %swap3A_248 : i32 to index
        %swap3A_250 = arith.index_cast %scan3A_224 : i32 to index
        %swap3A_251 = arith.constant 16 : index
        %swap3A_252 = tpu.vector_load %arg6[%swap3A_249, %swap3A_250, %swap3A_251] {strides = array<i32>} : memref<4x200x64xf32, #tpu.memory_space<vmem>>, vector<1x1x16xf32>,
        %swap3A_253 = vector.shape_cast %swap3A_252 : vector<1x1x16xf32> to vector<16xf32>
        %swap3A_254 = vector.shape_cast %mul3A_247 : vector<16xf32> to vector<1x1x16xf32>
        tpu.vector_store %arg6[%swap3A_249, %swap3A_250, %swap3A_251], %swap3A_254 {strides = array<i32>} : memref<4x200x64xf32, #tpu.memory_space<vmem>>, vector<1x1x16xf32>,
        %get3A_255 = arith.constant 0 : i32
        %get3A_256 = arith.index_cast %get3A_255 : i32 to index
        %get3A_257 = arith.index_cast %scan3A_224 : i32 to index
        %get3A_258 = arith.constant 32 : index
        %get3A_259 = tpu.vector_load %arg6[%get3A_256, %get3A_257, %get3A_258] {strides = array<i32>} : memref<4x200x64xf32, #tpu.memory_space<vmem>>, vector<1x1x16xf32>,
        %get3A_260 = vector.shape_cast %get3A_259 : vector<1x1x16xf32> to vector<16xf32>
        %mul3A_261 = arith.constant 8.000000e+00 : f32
        %mul3A_262 = vector.broadcast %mul3A_261 : f32 to vector<16xf32>
        %mul3A_263 = arith.mulf %get3A_260, %mul3A_262 : vector<16xf32>
        %swap3A_264 = arith.constant 0 : i32
        %swap3A_265 = arith.index_cast %swap3A_264 : i32 to index
        %swap3A_266 = arith.index_cast %scan3A_224 : i32 to index
        %swap3A_267 = arith.constant 32 : index
        %swap3A_268 = tpu.vector_load %arg6[%swap3A_265, %swap3A_266, %swap3A_267] {strides = array<i32>} : memref<4x200x64xf32, #tpu.memory_space<vmem>>, vector<1x1x16xf32>,
        %swap3A_269 = vector.shape_cast %swap3A_268 : vector<1x1x16xf32> to vector<16xf32>
        %swap3A_270 = vector.shape_cast %mul3A_263 : vector<16xf32> to vector<1x1x16xf32>
        tpu.vector_store %arg6[%swap3A_265, %swap3A_266, %swap3A_267], %swap3A_270 {strides = array<i32>} : memref<4x200x64xf32, #tpu.memory_space<vmem>>, vector<1x1x16xf32>,
        %get3A_271 = arith.constant 0 : i32
        %get3A_272 = arith.index_cast %get3A_271 : i32 to index
        %get3A_273 = arith.index_cast %scan3A_224 : i32 to index
        %get3A_274 = arith.constant 48 : index
        %get3A_275 = tpu.vector_load %arg6[%get3A_272, %get3A_273, %get3A_274] {strides = array<i32>} : memref<4x200x64xf32, #tpu.memory_space<vmem>>, vector<1x1x16xf32>,
        %get3A_276 = vector.shape_cast %get3A_275 : vector<1x1x16xf32> to vector<16xf32>
        %mul3A_277 = arith.constant 8.000000e+00 : f32
        %mul3A_278 = vector.broadcast %mul3A_277 : f32 to vector<16xf32>
        %mul3A_279 = arith.mulf %get3A_276, %mul3A_278 : vector<16xf32>
        %swap3A_280 = arith.constant 0 : i32
        %swap3A_281 = arith.index_cast %swap3A_280 : i32 to index
        %swap3A_282 = arith.index_cast %scan3A_224 : i32 to index
        %swap3A_283 = arith.constant 48 : index
        %swap3A_284 = tpu.vector_load %arg6[%swap3A_281, %swap3A_282, %swap3A_283] {strides = array<i32>} : memref<4x200x64xf32, #tpu.memory_space<vmem>>, vector<1x1x16xf32>,
        %swap3A_285 = vector.shape_cast %swap3A_284 : vector<1x1x16xf32> to vector<16xf32>
        %swap3A_286 = vector.shape_cast %mul3A_279 : vector<16xf32> to vector<1x1x16xf32>
        tpu.vector_store %arg6[%swap3A_281, %swap3A_282, %swap3A_283], %swap3A_286 {strides = array<i32>} : memref<4x200x64xf32, #tpu.memory_space<vmem>>, vector<1x1x16xf32>,
        %get3A_287 = arith.constant 1 : i32
        %get3A_288 = arith.index_cast %get3A_287 : i32 to index
        %get3A_289 = arith.index_cast %scan3A_224 : i32 to index
        %get3A_290 = arith.constant 0 : index
        %get3A_291 = tpu.vector_load %arg6[%get3A_288, %get3A_289, %get3A_290] {strides = array<i32>} : memref<4x200x64xf32, #tpu.memory_space<vmem>>, vector<1x1x16xf32>,
        %get3A_292 = vector.shape_cast %get3A_291 : vector<1x1x16xf32> to vector<16xf32>
        %mul3A_293 = arith.constant 8.000000e+00 : f32
        %mul3A_294 = vector.broadcast %mul3A_293 : f32 to vector<16xf32>
        %mul3A_295 = arith.mulf %get3A_292, %mul3A_294 : vector<16xf32>
        %swap3A_296 = arith.constant 1 : i32
        %swap3A_297 = arith.index_cast %swap3A_296 : i32 to index
        %swap3A_298 = arith.index_cast %scan3A_224 : i32 to index
        %swap3A_299 = arith.constant 0 : index
        %swap3A_300 = tpu.vector_load %arg6[%swap3A_297, %swap3A_298, %swap3A_299] {strides = array<i32>} : memref<4x200x64xf32, #tpu.memory_space<vmem>>, vector<1x1x16xf32>,
        %swap3A_301 = vector.shape_cast %swap3A_300 : vector<1x1x16xf32> to vector<16xf32>
        %swap3A_302 = vector.shape_cast %mul3A_295 : vector<16xf32> to vector<1x1x16xf32>
        tpu.vector_store %arg6[%swap3A_297, %swap3A_298, %swap3A_299], %swap3A_302 {strides = array<i32>} : memref<4x200x64xf32, #tpu.memory_space<vmem>>, vector<1x1x16xf32>,
        %get3A_303 = arith.constant 1 : i32
        %get3A_304 = arith.index_cast %get3A_303 : i32 to index
        %get3A_305 = arith.index_cast %scan3A_224 : i32 to index
        %get3A_306 = arith.constant 16 : index
        %get3A_307 = tpu.vector_load %arg6[%get3A_304, %get3A_305, %get3A_306] {strides = array<i32>} : memref<4x200x64xf32, #tpu.memory_space<vmem>>, vector<1x1x16xf32>,
        %get3A_308 = vector.shape_cast %get3A_307 : vector<1x1x16xf32> to vector<16xf32>
        %mul3A_309 = arith.constant 8.000000e+00 : f32
        %mul3A_310 = vector.broadcast %mul3A_309 : f32 to vector<16xf32>
        %mul3A_311 = arith.mulf %get3A_308, %mul3A_310 : vector<16xf32>
        %swap3A_312 = arith.constant 1 : i32
        %swap3A_313 = arith.index_cast %swap3A_312 : i32 to index
        %swap3A_314 = arith.index_cast %scan3A_224 : i32 to index
        %swap3A_315 = arith.constant 16 : index
        %swap3A_316 = tpu.vector_load %arg6[%swap3A_313, %swap3A_314, %swap3A_315] {strides = array<i32>} : memref<4x200x64xf32, #tpu.memory_space<vmem>>, vector<1x1x16xf32>,
        %swap3A_317 = vector.shape_cast %swap3A_316 : vector<1x1x16xf32> to vector<16xf32>
        %swap3A_318 = vector.shape_cast %mul3A_311 : vector<16xf32> to vector<1x1x16xf32>
        tpu.vector_store %arg6[%swap3A_313, %swap3A_314, %swap3A_315], %swap3A_318 {strides = array<i32>} : memref<4x200x64xf32, #tpu.memory_space<vmem>>, vector<1x1x16xf32>,
        %get3A_319 = arith.constant 1 : i32
        %get3A_320 = arith.index_cast %get3A_319 : i32 to index
        %get3A_321 = arith.index_cast %scan3A_224 : i32 to index
        %get3A_322 = arith.constant 32 : index
        %get3A_323 = tpu.vector_load %arg6[%get3A_320, %get3A_321, %get3A_322] {strides = array<i32>} : memref<4x200x64xf32, #tpu.memory_space<vmem>>, vector<1x1x16xf32>,
        %get3A_324 = vector.shape_cast %get3A_323 : vector<1x1x16xf32> to vector<16xf32>
        %mul3A_325 = arith.constant 8.000000e+00 : f32
        %mul3A_326 = vector.broadcast %mul3A_325 : f32 to vector<16xf32>
        %mul3A_327 = arith.mulf %get3A_324, %mul3A_326 : vector<16xf32>
        %swap3A_328 = arith.constant 1 : i32
        %swap3A_329 = arith.index_cast %swap3A_328 : i32 to index
        %swap3A_330 = arith.index_cast %scan3A_224 : i32 to index
        %swap3A_331 = arith.constant 32 : index
        %swap3A_332 = tpu.vector_load %arg6[%swap3A_329, %swap3A_330, %swap3A_331] {strides = array<i32>} : memref<4x200x64xf32, #tpu.memory_space<vmem>>, vector<1x1x16xf32>,
        %swap3A_333 = vector.shape_cast %swap3A_332 : vector<1x1x16xf32> to vector<16xf32>
        %swap3A_334 = vector.shape_cast %mul3A_327 : vector<16xf32> to vector<1x1x16xf32>
        tpu.vector_store %arg6[%swap3A_329, %swap3A_330, %swap3A_331], %swap3A_334 {strides = array<i32>} : memref<4x200x64xf32, #tpu.memory_space<vmem>>, vector<1x1x16xf32>,
        %get3A_335 = arith.constant 1 : i32
        %get3A_336 = arith.index_cast %get3A_335 : i32 to index
        %get3A_337 = arith.index_cast %scan3A_224 : i32 to index
        %get3A_338 = arith.constant 48 : index
        %get3A_339 = tpu.vector_load %arg6[%get3A_336, %get3A_337, %get3A_338] {strides = array<i32>} : memref<4x200x64xf32, #tpu.memory_space<vmem>>, vector<1x1x16xf32>,
        %get3A_340 = vector.shape_cast %get3A_339 : vector<1x1x16xf32> to vector<16xf32>
        %mul3A_341 = arith.constant 8.000000e+00 : f32
        %mul3A_342 = vector.broadcast %mul3A_341 : f32 to vector<16xf32>
        %mul3A_343 = arith.mulf %get3A_340, %mul3A_342 : vector<16xf32>
        %swap3A_344 = arith.constant 1 : i32
        %swap3A_345 = arith.index_cast %swap3A_344 : i32 to index
        %swap3A_346 = arith.index_cast %scan3A_224 : i32 to index
        %swap3A_347 = arith.constant 48 : index
        %swap3A_348 = tpu.vector_load %arg6[%swap3A_345, %swap3A_346, %swap3A_347] {strides = array<i32>} : memref<4x200x64xf32, #tpu.memory_space<vmem>>, vector<1x1x16xf32>,
        %swap3A_349 = vector.shape_cast %swap3A_348 : vector<1x1x16xf32> to vector<16xf32>
        %swap3A_350 = vector.shape_cast %mul3A_343 : vector<16xf32> to vector<1x1x16xf32>
        tpu.vector_store %arg6[%swap3A_345, %swap3A_346, %swap3A_347], %swap3A_350 {strides = array<i32>} : memref<4x200x64xf32, #tpu.memory_space<vmem>>, vector<1x1x16xf32>,
        %get3A_351 = arith.constant 2 : i32
        %get3A_352 = arith.index_cast %get3A_351 : i32 to index
        %get3A_353 = arith.index_cast %scan3A_224 : i32 to index
        %get3A_354 = arith.constant 0 : index
        %get3A_355 = tpu.vector_load %arg6[%get3A_352, %get3A_353, %get3A_354] {strides = array<i32>} : memref<4x200x64xf32, #tpu.memory_space<vmem>>, vector<1x1x16xf32>,
        %get3A_356 = vector.shape_cast %get3A_355 : vector<1x1x16xf32> to vector<16xf32>
        %mul3A_357 = arith.constant 8.000000e+00 : f32
        %mul3A_358 = vector.broadcast %mul3A_357 : f32 to vector<16xf32>
        %mul3A_359 = arith.mulf %get3A_356, %mul3A_358 : vector<16xf32>
        %swap3A_360 = arith.constant 2 : i32
        %swap3A_361 = arith.index_cast %swap3A_360 : i32 to index
        %swap3A_362 = arith.index_cast %scan3A_224 : i32 to index
        %swap3A_363 = arith.constant 0 : index
        %swap3A_364 = tpu.vector_load %arg6[%swap3A_361, %swap3A_362, %swap3A_363] {strides = array<i32>} : memref<4x200x64xf32, #tpu.memory_space<vmem>>, vector<1x1x16xf32>,
        %swap3A_365 = vector.shape_cast %swap3A_364 : vector<1x1x16xf32> to vector<16xf32>
        %swap3A_366 = vector.shape_cast %mul3A_359 : vector<16xf32> to vector<1x1x16xf32>
        tpu.vector_store %arg6[%swap3A_361, %swap3A_362, %swap3A_363], %swap3A_366 {strides = array<i32>} : memref<4x200x64xf32, #tpu.memory_space<vmem>>, vector<1x1x16xf32>,
        %get3A_367 = arith.constant 2 : i32
        %get3A_368 = arith.index_cast %get3A_367 : i32 to index
        %get3A_369 = arith.index_cast %scan3A_224 : i32 to index
        %get3A_370 = arith.constant 16 : index
        %get3A_371 = tpu.vector_load %arg6[%get3A_368, %get3A_369, %get3A_370] {strides = array<i32>} : memref<4x200x64xf32, #tpu.memory_space<vmem>>, vector<1x1x16xf32>,
        %get3A_372 = vector.shape_cast %get3A_371 : vector<1x1x16xf32> to vector<16xf32>
        %mul3A_373 = arith.constant 8.000000e+00 : f32
        %mul3A_374 = vector.broadcast %mul3A_373 : f32 to vector<16xf32>
        %mul3A_375 = arith.mulf %get3A_372, %mul3A_374 : vector<16xf32>
        %swap3A_376 = arith.constant 2 : i32
        %swap3A_377 = arith.index_cast %swap3A_376 : i32 to index
        %swap3A_378 = arith.index_cast %scan3A_224 : i32 to index
        %swap3A_379 = arith.constant 16 : index
        %swap3A_380 = tpu.vector_load %arg6[%swap3A_377, %swap3A_378, %swap3A_379] {strides = array<i32>} : memref<4x200x64xf32, #tpu.memory_space<vmem>>, vector<1x1x16xf32>,
        %swap3A_381 = vector.shape_cast %swap3A_380 : vector<1x1x16xf32> to vector<16xf32>
        %swap3A_382 = vector.shape_cast %mul3A_375 : vector<16xf32> to vector<1x1x16xf32>
        tpu.vector_store %arg6[%swap3A_377, %swap3A_378, %swap3A_379], %swap3A_382 {strides = array<i32>} : memref<4x200x64xf32, #tpu.memory_space<vmem>>, vector<1x1x16xf32>,
        %get3A_383 = arith.constant 2 : i32
        %get3A_384 = arith.index_cast %get3A_383 : i32 to index
        %get3A_385 = arith.index_cast %scan3A_224 : i32 to index
        %get3A_386 = arith.constant 32 : index
        %get3A_387 = tpu.vector_load %arg6[%get3A_384, %get3A_385, %get3A_386] {strides = array<i32>} : memref<4x200x64xf32, #tpu.memory_space<vmem>>, vector<1x1x16xf32>,
        %get3A_388 = vector.shape_cast %get3A_387 : vector<1x1x16xf32> to vector<16xf32>
        %mul3A_389 = arith.constant 8.000000e+00 : f32
        %mul3A_390 = vector.broadcast %mul3A_389 : f32 to vector<16xf32>
        %mul3A_391 = arith.mulf %get3A_388, %mul3A_390 : vector<16xf32>
        %swap3A_392 = arith.constant 2 : i32
        %swap3A_393 = arith.index_cast %swap3A_392 : i32 to index
        %swap3A_394 = arith.index_cast %scan3A_224 : i32 to index
        %swap3A_395 = arith.constant 32 : index
        %swap3A_396 = tpu.vector_load %arg6[%swap3A_393, %swap3A_394, %swap3A_395] {strides = array<i32>} : memref<4x200x64xf32, #tpu.memory_space<vmem>>, vector<1x1x16xf32>,
        %swap3A_397 = vector.shape_cast %swap3A_396 : vector<1x1x16xf32> to vector<16xf32>
        %swap3A_398 = vector.shape_cast %mul3A_391 : vector<16xf32> to vector<1x1x16xf32>
        tpu.vector_store %arg6[%swap3A_393, %swap3A_394, %swap3A_395], %swap3A_398 {strides = array<i32>} : memref<4x200x64xf32, #tpu.memory_space<vmem>>, vector<1x1x16xf32>,
        %get3A_399 = arith.constant 2 : i32
        %get3A_400 = arith.index_cast %get3A_399 : i32 to index
        %get3A_401 = arith.index_cast %scan3A_224 : i32 to index
        %get3A_402 = arith.constant 48 : index
        %get3A_403 = tpu.vector_load %arg6[%get3A_400, %get3A_401, %get3A_402] {strides = array<i32>} : memref<4x200x64xf32, #tpu.memory_space<vmem>>, vector<1x1x16xf32>,
        %get3A_404 = vector.shape_cast %get3A_403 : vector<1x1x16xf32> to vector<16xf32>
        %mul3A_405 = arith.constant 8.000000e+00 : f32
        %mul3A_406 = vector.broadcast %mul3A_405 : f32 to vector<16xf32>
        %mul3A_407 = arith.mulf %get3A_404, %mul3A_406 : vector<16xf32>
        %swap3A_408 = arith.constant 2 : i32
        %swap3A_409 = arith.index_cast %swap3A_408 : i32 to index
        %swap3A_410 = arith.index_cast %scan3A_224 : i32 to index
        %swap3A_411 = arith.constant 48 : index
        %swap3A_412 = tpu.vector_load %arg6[%swap3A_409, %swap3A_410, %swap3A_411] {strides = array<i32>} : memref<4x200x64xf32, #tpu.memory_space<vmem>>, vector<1x1x16xf32>,
        %swap3A_413 = vector.shape_cast %swap3A_412 : vector<1x1x16xf32> to vector<16xf32>
        %swap3A_414 = vector.shape_cast %mul3A_407 : vector<16xf32> to vector<1x1x16xf32>
        tpu.vector_store %arg6[%swap3A_409, %swap3A_410, %swap3A_411], %swap3A_414 {strides = array<i32>} : memref<4x200x64xf32, #tpu.memory_space<vmem>>, vector<1x1x16xf32>,
        %get3A_415 = arith.constant 3 : i32
        %get3A_416 = arith.index_cast %get3A_415 : i32 to index
        %get3A_417 = arith.index_cast %scan3A_224 : i32 to index
        %get3A_418 = arith.constant 0 : index
        %get3A_419 = tpu.vector_load %arg6[%get3A_416, %get3A_417, %get3A_418] {strides = array<i32>} : memref<4x200x64xf32, #tpu.memory_space<vmem>>, vector<1x1x16xf32>,
        %get3A_420 = vector.shape_cast %get3A_419 : vector<1x1x16xf32> to vector<16xf32>
        %mul3A_421 = arith.constant 8.000000e+00 : f32
        %mul3A_422 = vector.broadcast %mul3A_421 : f32 to vector<16xf32>
        %mul3A_423 = arith.mulf %get3A_420, %mul3A_422 : vector<16xf32>
        %swap3A_424 = arith.constant 3 : i32
        %swap3A_425 = arith.index_cast %swap3A_424 : i32 to index
        %swap3A_426 = arith.index_cast %scan3A_224 : i32 to index
        %swap3A_427 = arith.constant 0 : index
        %swap3A_428 = tpu.vector_load %arg6[%swap3A_425, %swap3A_426, %swap3A_427] {strides = array<i32>} : memref<4x200x64xf32, #tpu.memory_space<vmem>>, vector<1x1x16xf32>,
        %swap3A_429 = vector.shape_cast %swap3A_428 : vector<1x1x16xf32> to vector<16xf32>
        %swap3A_430 = vector.shape_cast %mul3A_423 : vector<16xf32> to vector<1x1x16xf32>
        tpu.vector_store %arg6[%swap3A_425, %swap3A_426, %swap3A_427], %swap3A_430 {strides = array<i32>} : memref<4x200x64xf32, #tpu.memory_space<vmem>>, vector<1x1x16xf32>,
        %get3A_431 = arith.constant 3 : i32
        %get3A_432 = arith.index_cast %get3A_431 : i32 to index
        %get3A_433 = arith.index_cast %scan3A_224 : i32 to index
        %get3A_434 = arith.constant 16 : index
        %get3A_435 = tpu.vector_load %arg6[%get3A_432, %get3A_433, %get3A_434] {strides = array<i32>} : memref<4x200x64xf32, #tpu.memory_space<vmem>>, vector<1x1x16xf32>,
        %get3A_436 = vector.shape_cast %get3A_435 : vector<1x1x16xf32> to vector<16xf32>
        %mul3A_437 = arith.constant 8.000000e+00 : f32
        %mul3A_438 = vector.broadcast %mul3A_437 : f32 to vector<16xf32>
        %mul3A_439 = arith.mulf %get3A_436, %mul3A_438 : vector<16xf32>
        %swap3A_440 = arith.constant 3 : i32
        %swap3A_441 = arith.index_cast %swap3A_440 : i32 to index
        %swap3A_442 = arith.index_cast %scan3A_224 : i32 to index
        %swap3A_443 = arith.constant 16 : index
        %swap3A_444 = tpu.vector_load %arg6[%swap3A_441, %swap3A_442, %swap3A_443] {strides = array<i32>} : memref<4x200x64xf32, #tpu.memory_space<vmem>>, vector<1x1x16xf32>,
        %swap3A_445 = vector.shape_cast %swap3A_444 : vector<1x1x16xf32> to vector<16xf32>
        %swap3A_446 = vector.shape_cast %mul3A_439 : vector<16xf32> to vector<1x1x16xf32>
        tpu.vector_store %arg6[%swap3A_441, %swap3A_442, %swap3A_443], %swap3A_446 {strides = array<i32>} : memref<4x200x64xf32, #tpu.memory_space<vmem>>, vector<1x1x16xf32>,
        %get3A_447 = arith.constant 3 : i32
        %get3A_448 = arith.index_cast %get3A_447 : i32 to index
        %get3A_449 = arith.index_cast %scan3A_224 : i32 to index
        %get3A_450 = arith.constant 32 : index
        %get3A_451 = tpu.vector_load %arg6[%get3A_448, %get3A_449, %get3A_450] {strides = array<i32>} : memref<4x200x64xf32, #tpu.memory_space<vmem>>, vector<1x1x16xf32>,
        %get3A_452 = vector.shape_cast %get3A_451 : vector<1x1x16xf32> to vector<16xf32>
        %mul3A_453 = arith.constant 8.000000e+00 : f32
        %mul3A_454 = vector.broadcast %mul3A_453 : f32 to vector<16xf32>
        %mul3A_455 = arith.mulf %get3A_452, %mul3A_454 : vector<16xf32>
        %swap3A_456 = arith.constant 3 : i32
        %swap3A_457 = arith.index_cast %swap3A_456 : i32 to index
        %swap3A_458 = arith.index_cast %scan3A_224 : i32 to index
        %swap3A_459 = arith.constant 32 : index
        %swap3A_460 = tpu.vector_load %arg6[%swap3A_457, %swap3A_458, %swap3A_459] {strides = array<i32>} : memref<4x200x64xf32, #tpu.memory_space<vmem>>, vector<1x1x16xf32>,
        %swap3A_461 = vector.shape_cast %swap3A_460 : vector<1x1x16xf32> to vector<16xf32>
        %swap3A_462 = vector.shape_cast %mul3A_455 : vector<16xf32> to vector<1x1x16xf32>
        tpu.vector_store %arg6[%swap3A_457, %swap3A_458, %swap3A_459], %swap3A_462 {strides = array<i32>} : memref<4x200x64xf32, #tpu.memory_space<vmem>>, vector<1x1x16xf32>,
        %get3A_463 = arith.constant 3 : i32
        %get3A_464 = arith.index_cast %get3A_463 : i32 to index
        %get3A_465 = arith.index_cast %scan3A_224 : i32 to index
        %get3A_466 = arith.constant 48 : index
        %get3A_467 = tpu.vector_load %arg6[%get3A_464, %get3A_465, %get3A_466] {strides = array<i32>} : memref<4x200x64xf32, #tpu.memory_space<vmem>>, vector<1x1x16xf32>,
        %get3A_468 = vector.shape_cast %get3A_467 : vector<1x1x16xf32> to vector<16xf32>
        %mul3A_469 = arith.constant 8.000000e+00 : f32
        %mul3A_470 = vector.broadcast %mul3A_469 : f32 to vector<16xf32>
        %mul3A_471 = arith.mulf %get3A_468, %mul3A_470 : vector<16xf32>
        %swap3A_472 = arith.constant 3 : i32
        %swap3A_473 = arith.index_cast %swap3A_472 : i32 to index
        %swap3A_474 = arith.index_cast %scan3A_224 : i32 to index
        %swap3A_475 = arith.constant 48 : index
        %swap3A_476 = tpu.vector_load %arg6[%swap3A_473, %swap3A_474, %swap3A_475] {strides = array<i32>} : memref<4x200x64xf32, #tpu.memory_space<vmem>>, vector<1x1x16xf32>,
        %swap3A_477 = vector.shape_cast %swap3A_476 : vector<1x1x16xf32> to vector<16xf32>
        %swap3A_478 = vector.shape_cast %mul3A_471 : vector<16xf32> to vector<1x1x16xf32>
        tpu.vector_store %arg6[%swap3A_473, %swap3A_474, %swap3A_475], %swap3A_478 {strides = array<i32>} : memref<4x200x64xf32, #tpu.memory_space<vmem>>, vector<1x1x16xf32>,
      }
      %scan3A_220 = arith.constant 200 : i32
      %mul3A_221 = arith.constant 4 : i32
      %mul3A_222 = arith.muli %scan3A_8, %mul3A_221 : i32
      %add3A_223 = arith.addi %mul3A_2, %mul3A_222 : i32
      "tpu.region"() ({
        %run_scoped3A = tpu.sem_alloc : memref<!tpu.dma_semaphore, #tpu.memory_space<semaphore_mem>>
        %dma_start3A_224 = arith.constant 0 : i32
        %dma_start3A_225 = arith.constant 0 : i32
        %dma_start3A_226 = tpu.memref_slice %arg4[%add3A_223, %dma_start3A_224, %dma_start3A_225] : memref<4096x200x64xf32, #tpu.memory_space<hbm>> -> memref<4x200x64xf32, #tpu.memory_space<hbm>>
        %dma_start3A_227 = arith.constant 0 : i32
        %dma_start3A_228 = arith.constant 0 : i32
        %dma_start3A_229 = tpu.memref_slice %arg4[%add3A_223, %dma_start3A_227, %dma_start3A_228] : memref<4096x200x64xf32, #tpu.memory_space<hbm>> -> memref<4x200x64xf32, #tpu.memory_space<hbm>>
        tpu.enqueue_dma source(%arg6 : memref<4x200x64xf32, #tpu.memory_space<vmem>>) target(%dma_start3A_229 : memref<4x200x64xf32, #tpu.memory_space<hbm>>) target_semaphore(%run_scoped3A : memref<!tpu.dma_semaphore, #tpu.memory_space<semaphore_mem>>)
        %dma_wait3A_230 = arith.constant 0 : i32
        %dma_wait3A_231 = arith.constant 0 : i32
        %dma_wait3A_232 = tpu.memref_slice %arg4[%add3A_223, %dma_wait3A_230, %dma_wait3A_231] : memref<4096x200x64xf32, #tpu.memory_space<hbm>> -> memref<4x200x64xf32, #tpu.memory_space<hbm>>
        %dma_wait3A_233 = arith.constant 0 : i32
        %dma_wait3A_234 = arith.constant 0 : i32
        %dma_wait3A_235 = tpu.memref_slice %arg4[%add3A_223, %dma_wait3A_233, %dma_wait3A_234] : memref<4096x200x64xf32, #tpu.memory_space<hbm>> -> memref<4x200x64xf32, #tpu.memory_space<hbm>>
        tpu.wait_dma2 semaphore(%run_scoped3A : memref<!tpu.dma_semaphore, #tpu.memory_space<semaphore_mem>>) src(%arg6 : memref<4x200x64xf32, #tpu.memory_space<vmem>>) dst(%dma_wait3A_235 : memref<4x200x64xf32, #tpu.memory_space<hbm>>)
        tpu.yield
      }) : () -> ()
    }
    %scan3A_7 = arith.constant 32 : i32
    return
  }
}

</mosaic_0001>

<sc_bundles>
// kernel: _emb_lookup.3.cloned.1.call-start
scs
__scs_entry_jumppad:
0x0: {  	(pc) =	sbr.rel $0x88, $3  }
0x1: {  	(tag) =	ssettag $0x0;
	lr =	simm.s32 $0x1  }
0x2: {  	[smem:$0x3F9F] =	sst lr;
	_ =	strace $0xD0000000  }
0x3: {  	_ = 	snop  }
0x4: {  	_ = 	snop  }
0x5: {  	_ = 	snop  }
0x6: {  	_ = 	snop  }
0x7: {  	_ = 	snop  }
__scs_overlays_trampoline_lowered:
0x8: {  	[smem:$0x3FAE] =	sst s0  }
0x9: {  	[smem:$0x3FAF] =	sst s1  }
0xa: {  	[smem:$0x3FB0] =	sst s2  }
0xb: {  	[smem:$0x3FB1] =	sst s3  }
0xc: {  	[smem:$0x3FB2] =	sst s4  }
0xd: {  	[smem:$0x3FB3] =	sst s5  }
0xe: {  	[smem:$0x3FB4] =	sst s6  }
0xf: {  	[smem:$0x3FB5] =	sst s7  }
0x10: {  	[smem:$0x3FB6] =	sst s8  }
0x11: {  	[smem:$0x3FB7] =	sst s9;
	s0 =	simm.s32 @!p0 $0x0  }
0x12: {  	s1 =	sld [smem:$0x3F9D];
	s0 =	simm.s32 @p0 $0x1  }
0x13: {  	[smem:$0x3FB8] =	sst s0;
	s0 =	simm.s32 @!p1 $0x0  }
0x14: {  	s2 =	sld [smem:$0x3F9C];
	s0 =	simm.s32 @p1 $0x1  }
0x15: {  	[smem:$0x3FB9] =	sst s0;
	s0 =	simm.s32 @!p2 $0x0  }
0x16: {  	s3 =	sld [smem:$0x3FDB];
	s0 =	simm.s32 @p2 $0x1  }
0x17: {  	s4 =	simm.s32 $0x1BF5;
	[smem:$0x3FBB] =	sst s0  }
0x18: {  	s0 =	sld [smem:$0x3F9E];
	_ =	swait.ge [sflag:s4], $0x0  }
0x19: {  	s7 =	sld [smem:$0x3F9F]  }
0x1a: {  	s8 =	sadd.s32 $0xFFFFE003, lr  }
0x1b: {  	s9 =	sadd.s32 $0xFFFFFEF7, lr;
	s5 =	simm.s32 $0xFFFFFFFF;
	p2 =	slt.u32 s8, $0xFFFFF086  }
0x1c: {  	p1 =	slt.u32 s9, $0xF7A;
	s5 =	simm.s32 @!p2 $0x0  }
0x1d: {  	s5 =	simm.s32 @p1 $0x1;
	p0 =	seq.s32 s7, s2  }
0x1e: {  	s7 =	smul.u32 @!p0 $0xF7A, s2;
	p2 =	seq.s32 @!p0 s5, $0x0  }
0x1f: {  	s9 =	smul.u32 $0xF7A, s1;
	s8 =	simm.s32 @!p0 $0x1BF5;
	p2 =	por !p2, p0  }
0x20: {  	[sflag:s8] =	ssyncset.s32 @!p0 $0xFFFFF086;
	s6 =	sadd.s32 @!p0 s3, s7;
	s7 =	simm.s32 @!p0 $0x108  }
0x21: {  	s3 =	sadd.s32 s3, s9;
	s6 =	sadd.s32 @!p0 $0x88, s6;
	s7 =	simm.s32 @p2 $0x1082  }
0x22: {  	[simem:s7], [sflag:s8] =	dma.local @!p0 [hbm:s6], $0xF7A  }
0x23: {  	s9 =	sor.u32 $0xD0000000, s2;
	s6 =	simm.s32 $0x108;
	_ =	swait.ge @!p0 [sflag:s8], $0x0  }
0x24: {  	s3 =	sadd.s32 $0x88, s3;
	s6 =	simm.s32 @!p1 $0x1082;
	[sflag:s4] =	ssyncset.s32 $0xFFFFF086  }
0x25: {  	[simem:s6], [sflag:s4] =	dma.local [hbm:s3], $0xF7A  }
0x26: {  	[smem:$0x3F9F] =	sst s1;
	(tag) =	ssettag s2;
	_ =	strace s9  }
0x27: {  	s1 =	sld [smem:$0x3FAF]  }
0x28: {  	s2 =	sld [smem:$0x3FB0]  }
0x29: {  	s4 =	sld [smem:$0x3FB2]  }
0x2a: {  	p0 =	seq.s32 s5, $0x0;
	s5 =	sld [smem:$0x3FB3]  }
0x2b: {  	s6 =	sld [smem:$0x3FB4]  }
0x2c: {  	s7 =	sld [smem:$0x3FB5]  }
0x2d: {  	s3 =	simm.s32 $0x108;
	s8 =	sld [smem:$0x3FB6]  }
0x2e: {  	s3 =	simm.s32 @!p0 $0x1082;
	s9 =	sld [smem:$0x3FB7]  }
0x2f: {  	lr =	sadd.s32 s0, s3;
	s0 =	sld [smem:$0x3FAE]  }
0x30: {  	s3 =	sld [smem:$0x3FB1]  }
0x31: {  	[smem:$0x3FBA] =	sst s10  }
0x32: {  	s10 =	sld [smem:$0x3FB8];
	_ =	sdelay $0x3  }
0x33: {  	p0 =	seq.s32 s10, $0x1;
	s10 =	sld [smem:$0x3FBA];
	_ =	sdelay $0x3  }
0x34: {  	[smem:$0x3FBA] =	sst s10  }
0x35: {  	s10 =	sld [smem:$0x3FB9];
	_ =	sdelay $0x3  }
0x36: {  	p1 =	seq.s32 s10, $0x1;
	s10 =	sld [smem:$0x3FBA];
	_ =	sdelay $0x3  }
0x37: {  	[smem:$0x3FBA] =	sst s10  }
0x38: {  	s10 =	sld [smem:$0x3FBB]  }
0x39: {  	_ = 	snop;
	(pc) =	sbr.ind lr, $3  }
0x3a: {  	_ = 	snop  }
0x3b: {  	_ = 	snop  }
0x3c: {  	p2 =	seq.s32 s10, $0x1;
	s10 =	sld [smem:$0x3FBA]  }
0x3d: {  	_ =	shalt  }
0x3e: {  	_ =	shalt  }
0x3f: {  	_ =	shalt  }
0x40: {  	_ =	shalt  }
0x41: {  	_ =	shalt  }
0x42: {  	_ =	shalt  }
0x43: {  	_ =	shalt  }
0x44: {  	_ =	shalt  }
0x45: {  	_ =	shalt  }
0x46: {  	_ =	shalt  }
0x47: {  	_ =	shalt  }
0x48: {  	_ =	shalt  }
0x49: {  	_ =	shalt  }
0x4a: {  	_ =	shalt  }
0x4b: {  	_ =	shalt  }
0x4c: {  	_ =	shalt  }
0x4d: {  	_ =	shalt  }
0x4e: {  	_ =	shalt  }
0x4f: {  	_ =	shalt  }
0x50: {  	_ =	shalt  }
0x51: {  	_ =	shalt  }
0x52: {  	_ =	shalt  }
0x53: {  	_ =	shalt  }
0x54: {  	_ =	shalt  }
0x55: {  	_ =	shalt  }
0x56: {  	_ =	shalt  }
0x57: {  	_ =	shalt  }
0x58: {  	_ =	shalt  }
0x59: {  	_ =	shalt  }
0x5a: {  	_ =	shalt  }
0x5b: {  	_ =	shalt  }
0x5c: {  	_ =	shalt  }
0x5d: {  	_ =	shalt  }
0x5e: {  	_ =	shalt  }
0x5f: {  	_ =	shalt  }
0x60: {  	_ =	shalt  }
0x61: {  	_ =	shalt  }
0x62: {  	_ =	shalt  }
0x63: {  	_ =	shalt  }
0x64: {  	_ =	shalt  }
0x65: {  	_ =	shalt  }
0x66: {  	_ =	shalt  }
0x67: {  	_ =	shalt  }
0x68: {  	_ =	shalt  }
0x69: {  	_ =	shalt  }
0x6a: {  	_ =	shalt  }
0x6b: {  	_ =	shalt  }
0x6c: {  	_ =	shalt  }
0x6d: {  	_ =	shalt  }
0x6e: {  	_ =	shalt  }
0x6f: {  	_ =	shalt  }
0x70: {  	_ =	shalt  }
0x71: {  	_ =	shalt  }
0x72: {  	_ =	shalt  }
0x73: {  	_ =	shalt  }
0x74: {  	_ =	shalt  }
0x75: {  	_ =	shalt  }
0x76: {  	_ =	shalt  }
0x77: {  	_ =	shalt  }
0x78: {  	_ =	shalt  }
0x79: {  	_ =	shalt  }
0x7a: {  	_ =	shalt  }
0x7b: {  	_ =	shalt  }
0x7c: {  	_ =	shalt  }
0x7d: {  	_ =	shalt  }
0x7e: {  	_ =	shalt  }
0x7f: {  	_ =	shalt  }
0x80: {  	_ =	shalt  }
0x81: {  	_ =	shalt  }
0x82: {  	_ =	shalt  }
0x83: {  	_ =	shalt  }
0x84: {  	_ =	shalt  }
0x85: {  	_ =	shalt  }
0x86: {  	_ =	shalt  }
0x87: {  	_ =	shalt  }
.Lfunc_end0:
.L_simem_size_0:
called_computation.1_lowered:
.L_overlay_start_0:
0x88: {  	s2 =	sld [smem:$0x3FD9]  }
0x89: {  	s3 =	sld [smem:$0x3FFE];
	_ =	sdelay $0x1  }
0x8a: {  	s1 =	srdreg.scid  }
0x8b: {  	s0 =	sand.u32 $0x1, s1  }
0x8c: {  	s17 =	sshll.u32 s0, $0xA;
	s2 =	sadd.s32 s3, s2  }
0x8d: {  	s2 =	sadd.s32 s2, s17  }
0x8e: {  	[smem:$0x3FC6] =	sst s2  }
0x8f: {  	_ = 	snop  }
0x90: {  	s2 =	sld [smem:$0x3FD0];
	(tm) =	ssettm $0x1  }
0x91: {  	s18 =	sld [smem:$0x3FFB];
	_ =	sdelay $0x3  }
0x92: {  	_ =	strace s18  }
0x93: {  	s3 =	sld [smem:$0x3FFC];
	_ =	sdelay $0x3  }
0x94: {  	_ =	strace s3  }
0x95: {  	s3 =	sld [smem:$0x3FFD];
	_ =	sdelay $0x3  }
0x96: {  	_ =	strace s3  }
0x97: {  	_ =	strace $0x8FFFFFFF  }
0x98: {  	s19 =	sld [smem:$0x3FDB];
	_ =	sdelay $0x1  }
0x99: {  	s4 =	simm.s32 $_scs_section_size  }
0x9a: {  	s5 =	simm.s32 $_size__tile_overlayer_lowered;
	s6 =	simm.s32 $_tile_overlayer_lowered  }
0x9b: {  	s22 =	simm.s32 $0x1BFF;
	s21 =	sshll.u32 s6, $0x1;
	s3 =	sadd.s32 s4, s19  }
0x9c: {  	s7 =	simm.s32 $0x0;
	s20 =	sshll.u32 s5, $0x1;
	s5 =	sadd.s32 s21, s3  }
0x9d: {  	[timem:s7], [sflag:s22] =	dma.local [hbm:s5], s20  }
0x9e: {  	_ =	swait.ge [sflag:s22], s20  }
0x9f: {  	s4 =	ssub.s32 $0x0, s20;
	[sflag:s22] =	ssyncset.done $0x0  }
0xa0: {  	[sflag:s22] =	ssyncadd.s32 s4;
	_ =	sdelay $0x1  }
0xa1: {  	s23 =	simm.s32 $0x1B8B  }
0xa2: {  	_ =	swait.ge [sflag:s23], $0x1  }
0xa3: {  	[sflag:s23] =	ssyncset.done $0x0  }
0xa4: {  	s25 =	simm.s32 $0x1B8E;
	s24 =	sld [smem:$0x3FFE];
	[sflag:s23] =	ssyncadd.s32 $0xFFFFFFFF  }
0xa5: {  	s26 =	simm.s32 $execute0_lowered;
	[smem:$0x3FD2] =	sst s25  }
0xa6: {  	s5 =	sshll.u32 s26, $0x1;
	_ =	strace $0x80000046;
	[dreg:$0x1] =	wrdreg $0xFFFFFFFF  }
0xa7: {  	s28 =	simm.s32 $_size_execute0_lowered;
	s3 =	sadd.s32 s3, s5;
	[dreg:$0x0] =	wrdreg $0x0  }
0xa8: {  	s5 =	sshll.u32 s28, $0x1;
	[dreg:$0x2] =	wrdreg s3  }
0xa9: {  	[dreg:$0x3] =	wrdreg s5  }
0xaa: {  	[dreg:$0x4] =	wrdreg $0xC0  }
0xab: {  	_ =	task [dreg:s7], $0x5FFFF  }
0xac: {  	[dreg:$0x1] =	wrdreg $0xFFFFFFFF  }
0xad: {  	[dreg:$0x0] =	wrdreg $0x60  }
0xae: {  	[dreg:$0x2] =	wrdreg s24  }
0xaf: {  	[dreg:$0x3] =	wrdreg s2  }
0xb0: {  	[dreg:$0x4] =	wrdreg $0x9  }
0xb1: {  	_ =	task.clear_ibuf [dreg:s7], $0x5FFFF;
	_ =	strace $0x90000046  }
0xb2: {  	s29 =	simm.s32 $0x9;
	_ =	strace $0x80000048  }
0xb3: {  	_ =	swait.ge [sflag:s29], $0x1  }
0xb4: {  	[sflag:s29] =	ssyncadd.s32 $0xFFFFFFFF  }
0xb5: {  	_ =	strace $0x90000048  }
0xb6: {  	_ =	sfence  }
0xb7: {  	s30 =	sld [smem:$0x0];
	_ =	sdelay $0x2  }
0xb8: {  	s31 =	sshll.u32 s1, $0xD;
	s1 =	sshrl.u32 s1, $0x2  }
0xb9: {  	s3 =	sand.u32 $0x4000, s31;
	s1 =	sadd.s32 s1, s30  }
0xba: {  	s0 =	sor.u32 s3, s0;
	s1 =	sshll.u32 s1, $0x11  }
0xbb: {  	s0 =	sor.u32 s1, s0  }
0xbc: {  	s0 =	sadd.s32 $0x8F2B, s0  }
0xbd: {  	[sflag:s0] =	ssyncadd.remote.s32 $0x1  }
0xbe: {  	_ =	sfence.sel $0xFFFF  }
0xbf: {  	[dreg:$0x0] =	wrdreg $0xFFFFFFFF;
	(pc) =	sbr.abs _section_cstart, $3  }
0xc0: {  	[dreg:$0x1] =	wrdreg $0xFFFFFFFF  }
0xc1: {  	_ =	task.clear_ibuf [dreg:s7], $0x2FFFF;
	_ =	strace $0x9FFFFFFF  }
0xc2: {  	(tm) =	ssettm $0x7FFFFFFF  }
0xc3: {  	_ =	shalt  }
tec
execute0_lowered:
.L_overlay_start_1:
0x0: {  	(tag) =	ssettag $0x1  }
0x1: {  	s1 =	srdreg.scid  }
0x2: {  	s6 =	rddreg [dreg:$0x0];
	s0 =	stileid.u32  }
0x3: {  	s2 =	rddreg [dreg:$0x1];
	s3 =	simm.s32 $0x0;
	s10 =	simm.s32 $0x6400  }
0x4: {  	s11 =	simm.s32 $0x60;
	s12 =	simm.s32 $0x7E00;
	s13 =	simm.s32 $0x9600  }
0x5: {  	s14 =	simm.s32 $0xB000;
	s15 =	simm.s32 $0xC800;
	s16 =	simm.s32 $0xE200  }
0x6: {  	s17 =	simm.s32 $0xFA00;
	s18 =	simm.s32 $0x11400;
	s5 =	sand.u32 $0x1, s1  }
0x7: {  	s19 =	simm.s32 $0x1;
	s4 =	sshll.u32 s0, $0x8;
	s7 =	sshll.u32 s5, $0x7  }
0x8: {  	s20 =	simm.s32 $0x0;
	s1 =	rddreg [dreg:$0x2];
	s4 =	sor.u32 s7, s4  }
0x9: {  	[smem:$0x7FF] =	sst s3;
	s8 =	ssub.s32 $0x2, s5;
	s7 =	smul.u32 $0x19, s4  }
0xa: {  	_ =	strace $0x80000047;
	s5 =	sadd.s32 $0xF42E00, s6;
	s9 =	sshrl.u32 s8, $0x1  }
0xb: {  	s31 =	ssub.s32 s8, s9;
	s8 =	simm.s32 $0x2;
	s6 =	sadd.s32 s7, s6  }
0xc: {  	s9 =	simm.s32 $0x68;
	s7 =	smax.u32 s31, $0x1;
	s6 =	sadd.s32 $0xA00, s6  }
.LBB2_1:
0xd: {  	[tilespmem:s3], [sflag:$0x2] =	stream.linear.gather [hbm4b:s6+s3], $0x6400, $0x38;
	[tilespmem:$0x12C00] =	vst v63  }
0xe: {  	_ =	swait.ge [sflag:s8], $0x6400  }
0xf: {  	[sflag:s8] =	ssyncset.done $0x0  }
0x10: {  	s21 =	simm.s32 $0x0;
	[sflag:s8] =	ssyncadd.s32 $0xFFFF9C00  }
.LBB2_2:
0x11: {  	s22 =	smul.u32 $0xC80, s21;
	_ =	sdelay $0x1  }
0x12: {  	s22 =	sshra.s32 s22, $0x2  }
0x13: {  	[tilespmem:s10], [sflag:$0x1] =	stream.indirect.gather [hbm4b:s5+s9], $0x40, s22, s9, $0xb8;
	[tilespmem:$0x12C00] =	vst v63  }
0x14: {  	s23 =	sadd.s32 $0x68, s22  }
0x15: {  	[tilespmem:s12], [sflag:$0x1] =	stream.indirect.gather [hbm4b:s5+s11], $0x40, s23, s11, $0xb8;
	[tilespmem:$0x12C00] =	vst v63  }
0x16: {  	s26 =	sadd.s32 $0xC8, s22  }
0x17: {  	[tilespmem:s13], [sflag:$0x1] =	stream.indirect.gather [hbm4b:s5+s9], $0x40, s26, s9, $0xb8;
	[tilespmem:$0x12C00] =	vst v63  }
0x18: {  	s28 =	sadd.s32 $0x130, s22  }
0x19: {  	[tilespmem:s14], [sflag:$0x1] =	stream.indirect.gather [hbm4b:s5+s11], $0x40, s28, s11, $0xb8;
	[tilespmem:$0x12C00] =	vst v63  }
0x1a: {  	s29 =	sadd.s32 $0x190, s22  }
0x1b: {  	[tilespmem:s15], [sflag:$0x1] =	stream.indirect.gather [hbm4b:s5+s9], $0x40, s29, s9, $0xb8;
	[tilespmem:$0x12C00] =	vst v63  }
0x1c: {  	s30 =	sadd.s32 $0x1F8, s22  }
0x1d: {  	[tilespmem:s16], [sflag:$0x1] =	stream.indirect.gather [hbm4b:s5+s11], $0x40, s30, s11, $0xb8;
	[tilespmem:$0x12C00] =	vst v63  }
0x1e: {  	s31 =	sadd.s32 $0x258, s22  }
0x1f: {  	[tilespmem:s17], [sflag:$0x1] =	stream.indirect.gather [hbm4b:s5+s9], $0x40, s31, s9, $0xb8;
	[tilespmem:$0x12C00] =	vst v63  }
0x20: {  	s22 =	sadd.s32 $0x2C0, s22  }
0x21: {  	[tilespmem:s18], [sflag:$0x1] =	stream.indirect.gather [hbm4b:s5+s11], $0x40, s22, s11, $0xb8;
	[tilespmem:$0x12C00] =	vst v63  }
0x22: {  	_ =	swait.ge [sflag:s19], $0x1A00  }
0x23: {  	[sflag:s19] =	ssyncset.done $0x0  }
0x24: {  	[sflag:s19] =	ssyncadd.s32 $0xFFFFE600  }
0x25: {  	_ =	swait.ge [sflag:s19], $0x1800  }
0x26: {  	[sflag:s19] =	ssyncset.done $0x0  }
0x27: {  	[sflag:s19] =	ssyncadd.s32 $0xFFFFE800  }
0x28: {  	_ =	swait.ge [sflag:s19], $0x1A00  }
0x29: {  	[sflag:s19] =	ssyncset.done $0x0  }
0x2a: {  	[sflag:s19] =	ssyncadd.s32 $0xFFFFE600  }
0x2b: {  	_ =	swait.ge [sflag:s19], $0x1800  }
0x2c: {  	[sflag:s19] =	ssyncset.done $0x0  }
0x2d: {  	[sflag:s19] =	ssyncadd.s32 $0xFFFFE800  }
0x2e: {  	_ =	swait.ge [sflag:s19], $0x1A00  }
0x2f: {  	[sflag:s19] =	ssyncset.done $0x0  }
0x30: {  	[sflag:s19] =	ssyncadd.s32 $0xFFFFE600  }
0x31: {  	_ =	swait.ge [sflag:s19], $0x1800  }
0x32: {  	[sflag:s19] =	ssyncset.done $0x0  }
0x33: {  	[sflag:s19] =	ssyncadd.s32 $0xFFFFE800  }
0x34: {  	_ =	swait.ge [sflag:s19], $0x1A00  }
0x35: {  	[sflag:s19] =	ssyncset.done $0x0  }
0x36: {  	[sflag:s19] =	ssyncadd.s32 $0xFFFFE600  }
0x37: {  	_ =	swait.ge [sflag:s19], $0x1800  }
0x38: {  	[sflag:s19] =	ssyncset.done $0x0  }
0x39: {  	s22 =	simm.s32 $0x0;
	[sflag:s19] =	ssyncadd.s32 $0xFFFFE800  }
0x3a: {  	v0 =	vld [tilespmem:s22+$0x6400]  }
0x3b: {  	v1 =	vld [tilespmem:s22+$0x6410]  }
0x3c: {  	v2 =	vld [tilespmem:s22+$0x6420]  }
0x3d: {  	v3 =	vld [tilespmem:s22+$0x6430]  }
0x3e: {  	v4 =	vld [tilespmem:s22+$0x9600]  }
0x3f: {  	v5 =	vld [tilespmem:s22+$0x9610];
	v0 =	vmul.f32 $8.000000000e+00, v0  }
0x40: {  	v6 =	vld [tilespmem:s22+$0x9620];
	v1 =	vmul.f32 $8.000000000e+00, v1  }
0x41: {  	v7 =	vld [tilespmem:s22+$0x9630];
	[tilespmem:s22+$0x6400] =	vst v0;
	v0 =	vmul.f32 $8.000000000e+00, v2  }
0x42: {  	v8 =	vld [tilespmem:s22+$0xC800];
	[tilespmem:s22+$0x6410] =	vst v1;
	v1 =	vmul.f32 $8.000000000e+00, v3  }
0x43: {  	v9 =	vld [tilespmem:s22+$0xC810];
	[tilespmem:s22+$0x6420] =	vst v0;
	v0 =	vmul.f32 $8.000000000e+00, v4  }
0x44: {  	v2 =	vmul.f32 $8.000000000e+00, v5;
	[tilespmem:s22+$0x6430] =	vst v1;
	v1 =	vld [tilespmem:s22+$0xC820]  }
0x45: {  	v3 =	vmul.f32 $8.000000000e+00, v6;
	[tilespmem:s22+$0x9600] =	vst v0;
	v0 =	vld [tilespmem:s22+$0xC830]  }
0x46: {  	[tilespmem:s22+$0x9610] =	vst v2;
	v2 =	vld [tilespmem:s22+$0xFA00];
	v4 =	vmul.f32 $8.000000000e+00, v7  }
0x47: {  	v6 =	vmul.f32 $8.000000000e+00, v8;
	[tilespmem:s22+$0x9620] =	vst v3;
	v3 =	vld [tilespmem:s22+$0xFA10]  }
0x48: {  	s23 =	simm.s32 $0x100;
	v5 =	vmul.f32 $8.000000000e+00, v9;
	[tilespmem:s22+$0x9630] =	vst v4;
	v4 =	vld [tilespmem:s22+$0xFA20]  }
.LBB2_3:
0x49: {  	s24 =	sshra.s32 s23, $0x2;
	p0 =	sne.s32 s23, $0xC700;
	[tilespmem:s22+$0xC800] =	vst v6;
	v1 =	vmul.f32 $8.000000000e+00, v1;
	v6 =	vld [tilespmem:s22+$0xFA30]  }
0x4a: {  	v7 =	vld [tilespmem:s24+$0x6400];
	[tilespmem:s22+$0xC810] =	vst v5;
	v0 =	vmul.f32 $8.000000000e+00, v0  }
0x4b: {  	v5 =	vld [tilespmem:s24+$0x6410];
	[tilespmem:s22+$0xC820] =	vst v1;
	v1 =	vmul.f32 $8.000000000e+00, v2  }
0x4c: {  	v2 =	vld [tilespmem:s24+$0x6420];
	[tilespmem:s22+$0xC830] =	vst v0;
	v0 =	vmul.f32 $8.000000000e+00, v3  }
0x4d: {  	v3 =	vld [tilespmem:s24+$0x6430];
	[tilespmem:s22+$0xFA00] =	vst v1;
	v1 =	vmul.f32 $8.000000000e+00, v4  }
0x4e: {  	v4 =	vld [tilespmem:s24+$0x9600];
	[tilespmem:s22+$0xFA10] =	vst v0;
	v0 =	vmul.f32 $8.000000000e+00, v6  }
0x4f: {  	v6 =	vmul.f32 $8.000000000e+00, v7;
	v7 =	vld [tilespmem:s24+$0x9610];
	[tilespmem:s22+$0xFA20] =	vst v1  }
0x50: {  	v1 =	vmul.f32 $8.000000000e+00, v5;
	v5 =	vld [tilespmem:s24+$0x9620];
	[tilespmem:s22+$0xFA30] =	vst v0;
	s22 =	smov.u32 s24  }
0x51: {  	[tilespmem:s22+$0x6400] =	vst v6;
	v0 =	vmul.f32 $8.000000000e+00, v2;
	v2 =	vld [tilespmem:s22+$0x9630]  }
0x52: {  	[tilespmem:s22+$0x6410] =	vst v1;
	v1 =	vmul.f32 $8.000000000e+00, v3;
	v3 =	vld [tilespmem:s22+$0xC800]  }
0x53: {  	[tilespmem:s22+$0x6420] =	vst v0;
	v0 =	vmul.f32 $8.000000000e+00, v4;
	v4 =	vld [tilespmem:s22+$0xC810]  }
.Ltmp0:
0x54: {  	[tilespmem:s22+$0x6430] =	vst v1;
	v6 =	vmul.f32 $8.000000000e+00, v7;
	v1 =	vld [tilespmem:s22+$0xC820];
	(pc) =	sbr.rel @p0 .LBB2_3-.Ltmp0, $4  }
0x55: {  	[tilespmem:s22+$0x9600] =	vst v0;
	v5 =	vmul.f32 $8.000000000e+00, v5;
	v0 =	vld [tilespmem:s22+$0xC830]  }
0x56: {  	[tilespmem:s22+$0x9610] =	vst v6;
	v7 =	vmul.f32 $8.000000000e+00, v2;
	v2 =	vld [tilespmem:s22+$0xFA00]  }
0x57: {  	[tilespmem:s22+$0x9620] =	vst v5;
	v6 =	vmul.f32 $8.000000000e+00, v3;
	v3 =	vld [tilespmem:s22+$0xFA10]  }
0x58: {  	s23 =	sadd.s32 $0x100, s23;
	[tilespmem:s22+$0x9630] =	vst v7;
	v5 =	vmul.f32 $8.000000000e+00, v4;
	v4 =	vld [tilespmem:s22+$0xFA20]  }
0x59: {  	[tilespmem:s22+$0xC800] =	vst v6;
	v1 =	vmul.f32 $8.000000000e+00, v1;
	v59 =	vld [tilespmem:s22+$0xFA30]  }
0x5a: {  	[tilespmem:s22+$0xC810] =	vst v5;
	v0 =	vmul.f32 $8.000000000e+00, v0  }
0x5b: {  	[tilespmem:s22+$0xC820] =	vst v1;
	v60 =	vmul.f32 $8.000000000e+00, v2  }
0x5c: {  	s23 =	sshll.u32 s21, $0x2;
	[tilespmem:s22+$0xC830] =	vst v0;
	v61 =	vmul.f32 $8.000000000e+00, v3  }
0x5d: {  	s23 =	sadd.s32 s4, s23;
	[tilespmem:s22+$0xFA00] =	vst v60;
	v62 =	vmul.f32 $8.000000000e+00, v4  }
0x5e: {  	s21 =	sadd.s32 $0x1, s21;
	s23 =	smul.u32 $0x640, s23;
	[tilespmem:s22+$0xFA10] =	vst v61;
	v63 =	vmul.f32 $8.000000000e+00, v59  }
0x5f: {  	p0 =	sne.s32 s21, $0x20;
	[tilespmem:s22+$0xFA20] =	vst v62  }
.Ltmp1:
0x60: {  	s31 =	sadd.s32 s2, s23;
	[tilespmem:s22+$0xFA30] =	vst v63;
	(pc) =	sbr.rel @p0 .LBB2_2-.Ltmp1, $4  }
0x61: {  	[hbm4b:s31+s3] =	stream.linear.scatter [tilespmem:s10], [sflag:$0x2], $0xC800, $0x38;
	[tilespmem:$0x12C00] =	vst v63  }
0x62: {  	_ =	swait.ge [sflag:s8], $0xC800  }
0x63: {  	[sflag:s8] =	ssyncset.done $0x0  }
0x64: {  	[sflag:s8] =	ssyncadd.s32 $0xFFFF3800  }
0x65: {  	s20 =	sadd.s32 $0x1, s20  }
0x66: {  	p0 =	sne.s32 s20, s7  }
.Ltmp2:
0x67: {  	_ = 	snop;
	(pc) =	sbr.rel @p0 .LBB2_1-.Ltmp2, $1  }
0x68: {  	_ =	sdelay $0x3  }
0x69: {  	_ =	sfence.sel $0x180000  }
0x6a: {  	[bflag:$0x0] =	sbarrier.arrive $0xFFFF  }
0x6b: {  	p0 =	sne.s32 s0, $0x0;
	_ =	strace $0x90000047  }
0x6c: {  	s0 =	sadd.s32 @!p0 $0x100000, s1;
	[bflag:$0x2] =	sbarrier.arrive $0xFFFF  }
0x6d: {  	[sflag:s0] =	ssyncadd.tile.s32 @!p0 $0x1;
	_ =	shalt  }
.Lfunc_end2:
_tile_overlayer_lowered:
.L_overlay_start_2:
0x6e: {  	(tag) =	ssettag $0x2  }
0x6f: {  	s0 =	rddreg [dreg:$0x0];
	s2 =	stileid.u32  }
0x70: {  	s1 =	rddreg [dreg:$0x1];
	p0 =	sne.s32 s2, $0x0  }
0x71: {  	s3 =	rddreg [dreg:$0x2];
	[bflag:$0x3] =	sbarrier.arrive $0xFFFF;
	s2 =	simm.s32 @!p0 $0x1C02  }
0x72: {  	[timem:s3], [sflag:s2] =	dma.local @!p0 [hbm:s0], s1  }
0x73: {  	s0 =	simm.s32 @!p0 $0x2  }
0x74: {  	_ =	swait.ge @!p0 [sflag:s0], s1  }
0x75: {  	s1 =	ssub.s32 @!p0 $0x0, s1;
	[sflag:s0] =	ssyncset.done @!p0 $0x0  }
0x76: {  	[sflag:s0] =	ssyncadd.s32 @!p0 s1  }
0x77: {  	[bflag:$0x3] =	sbarrier.arrive $0xFFFF  }
0x78: {  	_ =	shalt  }

// kernel: sparse-core-data-format-call.cloned.1.call-start
scs
called_computation_lowered:
.L_overlay_start_0:
0x0: {  	s2 =	sld [smem:$0x3FD9]  }
0x1: {  	s3 =	sld [smem:$0x3FFE];
	_ =	sdelay $0x1  }
0x2: {  	s1 =	srdreg.scid  }
0x3: {  	s0 =	sand.u32 $0x1, s1  }
0x4: {  	s18 =	sshll.u32 s0, $0xA;
	s2 =	sadd.s32 s3, s2  }
0x5: {  	s2 =	sadd.s32 s2, s18  }
0x6: {  	[smem:$0x3FC6] =	sst s2  }
0x7: {  	_ = 	snop  }
0x8: {  	s2 =	sld [smem:$0x3FD0];
	(tm) =	ssettm $0x1  }
0x9: {  	s19 =	sld [smem:$0x3FFB];
	_ =	sdelay $0x3  }
0xa: {  	_ =	strace s19  }
0xb: {  	s3 =	sld [smem:$0x3FFC];
	_ =	sdelay $0x3  }
0xc: {  	_ =	strace s3  }
0xd: {  	s3 =	sld [smem:$0x3FFD];
	_ =	sdelay $0x3  }
0xe: {  	_ =	strace s3  }
0xf: {  	_ =	strace $0x8FFFFFFF  }
0x10: {  	s20 =	sld [smem:$0x3FDB];
	_ =	sdelay $0x1  }
0x11: {  	s4 =	simm.s32 $_scs_section_size  }
0x12: {  	s5 =	simm.s32 $_size__tile_overlayer_lowered;
	s6 =	simm.s32 $_tile_overlayer_lowered  }
0x13: {  	s23 =	simm.s32 $0x1BFF;
	s22 =	sshll.u32 s6, $0x1;
	s3 =	sadd.s32 s4, s20  }
0x14: {  	s7 =	simm.s32 $0x0;
	s21 =	sshll.u32 s5, $0x1;
	s5 =	sadd.s32 s22, s3  }
0x15: {  	[timem:s7], [sflag:s23] =	dma.local [hbm:s5], s21  }
0x16: {  	_ =	swait.ge [sflag:s23], s21  }
0x17: {  	s4 =	ssub.s32 $0x0, s21;
	[sflag:s23] =	ssyncset.done $0x0  }
0x18: {  	[sflag:s23] =	ssyncadd.s32 s4;
	_ =	sdelay $0x1  }
0x19: {  	s24 =	simm.s32 $0x1B8B  }
0x1a: {  	_ =	swait.ge [sflag:s24], $0x1  }
0x1b: {  	[sflag:s24] =	ssyncset.done $0x0  }
0x1c: {  	s26 =	simm.s32 $0x1B8E;
	s25 =	sld [smem:$0x3FFE];
	[sflag:s24] =	ssyncadd.s32 $0xFFFFFFFF  }
0x1d: {  	s27 =	simm.s32 $execute0_lowered;
	[smem:$0x3FD2] =	sst s26  }
0x1e: {  	s5 =	sshll.u32 s27, $0x1;
	_ =	strace $0x80000049;
	[dreg:$0x1] =	wrdreg $0xFFFFFFFF  }
0x1f: {  	s28 =	simm.s32 $_size_execute0_lowered;
	s3 =	sadd.s32 s3, s5;
	[dreg:$0x0] =	wrdreg $0x0  }
0x20: {  	s5 =	sshll.u32 s28, $0x1;
	[dreg:$0x2] =	wrdreg s3  }
0x21: {  	[dreg:$0x3] =	wrdreg s5  }
0x22: {  	[dreg:$0x4] =	wrdreg $0xC0  }
0x23: {  	_ =	task [dreg:s7], $0x5FFFF  }
0x24: {  	[dreg:$0x1] =	wrdreg $0xFFFFFFFF  }
0x25: {  	[dreg:$0x0] =	wrdreg $0x60  }
0x26: {  	[dreg:$0x2] =	wrdreg s25  }
0x27: {  	[dreg:$0x3] =	wrdreg s2  }
0x28: {  	[dreg:$0x4] =	wrdreg $0x9  }
0x29: {  	_ =	task.clear_ibuf [dreg:s7], $0x5FFFF;
	_ =	strace $0x90000049  }
0x2a: {  	s29 =	simm.s32 $0x9;
	_ =	strace $0x8000004B  }
0x2b: {  	_ =	swait.ge [sflag:s29], $0x1  }
0x2c: {  	[sflag:s29] =	ssyncadd.s32 $0xFFFFFFFF  }
0x2d: {  	_ =	strace $0x9000004B  }
0x2e: {  	_ =	sfence  }
0x2f: {  	s30 =	sld [smem:$0x0];
	_ =	sdelay $0x2  }
0x30: {  	s31 =	sshll.u32 s1, $0xD;
	s1 =	sshrl.u32 s1, $0x2  }
0x31: {  	s3 =	sand.u32 $0x4000, s31;
	s1 =	sadd.s32 s1, s30  }
0x32: {  	s0 =	sor.u32 s3, s0;
	s1 =	sshll.u32 s1, $0x11  }
0x33: {  	s0 =	sor.u32 s1, s0  }
0x34: {  	s0 =	sadd.s32 $0x8F2B, s0  }
0x35: {  	[sflag:s0] =	ssyncadd.remote.s32 $0x1  }
0x36: {  	_ =	sfence.sel $0xFFFF  }
0x37: {  	[dreg:$0x0] =	wrdreg $0xFFFFFFFF;
	(pc) =	sbr.abs _section_cstart, $3  }
0x38: {  	[dreg:$0x1] =	wrdreg $0xFFFFFFFF  }
0x39: {  	_ =	task.clear_ibuf [dreg:s7], $0x2FFFF;
	_ =	strace $0x9FFFFFFF  }
0x3a: {  	(tm) =	ssettm $0x7FFFFFFF  }
0x3b: {  	_ =	shalt  }
tec
execute0_lowered:
.L_overlay_start_1:
0x0: {  	(tag) =	ssettag $0x1  }
0x1: {  	s0 =	srdreg.scid  }
0x2: {  	s1 =	sshll.u32 s0, $0x4  }
0x3: {  	s0 =	stileid.u32;
	s1 =	sand.u32 $0x10, s1  }
0x4: {  	s1 =	sor.u32 s0, s1  }
0x5: {  	s6 =	rddreg [dreg:$0x0];
	s4 =	simm.s32 $0x1;
	s2 =	sshll.u32 s1, $0x7  }
0x6: {  	s7 =	simm.s32 $0x2;
	s12 =	simm.s32 $0x0;
	s1 =	ssub.s32 $0x1000, s2  }
0x7: {  	s8 =	simm.s32 $0x8000;
	s13 =	simm.s32 $0x0;
	s3 =	sand.u32 $0xF80, s1  }
0x8: {  	s9 =	simm.s32 $0x0;
	s5 =	sshrl.u32 s1, $0xC;
	p0 =	sne.s32 s3, $0x0  }
.Ltmp0:
0x9: {  	s1 =	rddreg [dreg:$0x2];
	s4 =	simm.s32 @!p0 $0x0;
	(pc) =	sbr.rel .LBB1_1-.Ltmp0, $4  }
0xa: {  	s11 =	simm.s32 $0x0;
	s3 =	rddreg [dreg:$0x1];
	s5 =	sadd.s32 s4, s5  }
0xb: {  	_ =	strace $0x8000004A;
	s4 =	simm.s32 $0x1;
	s5 =	smul.u32 $0xC8, s5  }
0xc: {  	s6 =	sadd.s32 $0xA00, s6;
	s10 =	smov.u32 s2;
	[sflag:s4] =	ssyncpa.u1 $0x0  }
0xd: {  	p0 =	por $0x0, $0x0;
	[sflag:s7] =	ssyncpa.u1 $0x0;
	s7 =	sor.u32 $0x1, s5  }
.LBB1_4:
0xe: {  	s16 =	sshll.u32 s13, $0x3;
	s17 =	sand.u32 $0x78, s13  }
0xf: {  	s30 =	sand.u32 $0x7E00, s13;
	s12 =	sshll.u32 s12, $0xF;
	s16 =	sand.u32 $0xC00, s16  }
0x10: {  	[tilespmem:s15+$0x810 ss:$0x81] =	vst.msk $0xffff, v2;
	s31 =	sand.u32 $0x7, s13;
	s16 =	sor.u32 s17, s16;
	s17 =	sadd.s32 s3, s30  }
0x11: {  	[tilespmem:s15+$0x1020 ss:$0x81] =	vst.msk $0xffff, v0;
	s13 =	sshll.u32 s31, $0x12;
	s12 =	sadd.s32 s12, s17;
	s16 =	sshrl.u32 s16, $0x3  }
0x12: {  	[tilespmem:s15+$0x0 ss:$0x81] =	vst.msk $0xffff, v1;
	s13 =	sor.u32 $0x400, s13;
	s12 =	sadd.s32 s16, s12  }
0x13: {  	[hbm4b:s12+s13] =	stream.strided.scatter [tilespmem:s14], [sflag:$0x2], $0x2000, s8, s13, $0x20;
	[tilespmem:$0x8080] =	vst v63  }
.LBB1_5:
0x14: {  	s14 =	sadd.s32 $0x1, s9  }
0x15: {  	s12 =	sadd.s32 $0x1000, s10;
	s16 =	smov.u32 s10;
	p2 =	sgt.s32 s14, $0xC7  }
0x16: {  	s16 =	smov.u32 @p2 s12  }
0x17: {  	s14 =	simm.s32 @p2 $0x0;
	p2 =	sgt.s32 s16, $0xFFF  }
0x18: {  	s16 =	smov.u32 @p2 s2;
	p2 =	sne.s32 s11, s7  }
.Ltmp1:
0x19: {  	p1 =	slt.u32 s11, $0x2;
	(pc) =	sbr.rel @!p2 .LBB1_6-.Ltmp1, $4  }
0x1a: {  	s15 =	simm.s32 @!p1 $0x2  }
0x1b: {  	s13 =	smov.u32 s10;
	p0 =	por !p0, !p0;
	_ =	swait.ge @!p1 [sflag:s15], $0x2000  }
0x1c: {  	s12 =	smov.u32 s9;
	[sflag:s15] =	ssyncset.done @!p1 $0x0;
	s9 =	smov.u32 s14  }
0x1d: {  	s11 =	sadd.s32 $0x1, s11;
	[sflag:s15] =	ssyncadd.s32 @!p1 $0xFFFFE000;
	s10 =	smov.u32 s16  }
.LBB1_1:
0x1e: {  	p1 =	sge.u32 s11, s5  }
0x1f: {  	s14 =	sand.u32 @!p1 $0x1FFFFFF, s9  }
0x20: {  	s15 =	smulhi.u32 @!p1 $0x147AE15, s14;
	_ =	sdelay $0x1  }
0x21: {  	s15 =	smul.u32 @!p1 $0xC8, s15  }
0x22: {  	s16 =	sxor.u32 @!p1 $0xFFFFFFFF, s11;
	s17 =	smul.u32 @!p1 $0xC80, s10  }
0x23: {  	s31 =	sadd.s32 $0xFFFFFFFF, s11;
	s16 =	sshll.u32 @!p1 s16, $0xD;
	s14 =	ssub.s32 @!p1 s14, s15  }
0x24: {  	s15 =	sand.u32 @!p1 $0x2000, s16;
	s16 =	sadd.s32 @!p1 s6, s17;
	s14 =	sshll.u32 @!p1 s14, $0x4  }
0x25: {  	s17 =	simm.s32 @!p1 $0x6400;
	s14 =	sadd.s32 @!p1 s14, s16;
	s16 =	simm.s32 @!p1 $0x40  }
0x26: {  	[tilespmem:s15], [sflag:$0x1] =	stream.strided.gather @!p1 [hbm4b:s14+s16], $0x2000, s17, s16, $0x38;
	[tilespmem:$0x8080] =	vst v63  }
0x27: {  	p1 =	sge.u32 s31, s5  }
.Ltmp2:
0x28: {  	_ = 	snop;
	(pc) =	sbr.rel @p1 .LBB1_5-.Ltmp2, $1  }
0x29: {  	_ =	sdelay $0x3  }
0x2a: {  	s14 =	simm.s32 $0x1  }
0x2b: {  	_ =	swait.ge [sflag:s4], $0x2000;
	s14 =	simm.s32 @!p0 $0x0  }
0x2c: {  	[sflag:s4] =	ssyncset.done $0x0;
	s15 =	sshll.u32 s14, $0xD  }
0x2d: {  	[sflag:s4] =	ssyncadd.s32 $0xFFFFE000;
	s18 =	sor.u32 $0x20, s15  }
0x2e: {  	s14 =	smul.u32 $0x8100, s14;
	v3 =	vld [tilespmem:s18+$0x10]  }
0x2f: {  	s30 =	sand.u32 $0x1, s11;
	v2 =	vld [tilespmem:s18+$0xFFFFFFF0]  }
0x30: {  	s15 =	smul.u32 $0x8100, s30;
	s14 =	sshrl.u32 s14, $0x2;
	v0 =	vld [tilespmem:s18+$0x0]  }
0x31: {  	v1 =	vld [tilespmem:s18+$0xFFFFFFE0];
	s16 =	sor.u32 $0x4000, s14  }
0x32: {  	s31 =	sshrl.u32 s15, $0x2;
	s15 =	sadd.s32 $0x0, s16  }
0x33: {  	s17 =	simm.s32 $0x4;
	s18 =	sadd.s32 $0x40, s18;
	s14 =	sor.u32 $0x4000, s31;
	[tilespmem:s15+$0x1830 ss:$0x81] =	vst.msk $0xffff, v3  }
.LBB1_3:
0x34: {  	v3 =	vld [tilespmem:s18+$0x10];
	p1 =	sne.s32 s17, $0x1FC;
	[tilespmem:s15+$0x810 ss:$0x81] =	vst.msk $0xffff, v2;
	s19 =	smov.u32 s17;
	s17 =	sadd.s32 $0x4, s17  }
.Ltmp3:
0x35: {  	v2 =	vld [tilespmem:s18+$0xFFFFFFF0];
	[tilespmem:s15+$0x1020 ss:$0x81] =	vst.msk $0xffff, v0;
	(pc) =	sbr.rel @p1 .LBB1_3-.Ltmp3, $4  }
0x36: {  	v0 =	vld [tilespmem:s18+$0x0];
	[tilespmem:s15+$0x0 ss:$0x81] =	vst.msk $0xffff, v1  }
0x37: {  	s15 =	sshra.s32 s19, $0x2;
	v1 =	vld [tilespmem:s18+$0xFFFFFFE0]  }
0x38: {  	s15 =	sadd.s32 s15, s16  }
0x39: {  	s18 =	sadd.s32 $0x40, s18;
	[tilespmem:s15+$0x1830 ss:$0x81] =	vst.msk $0xffff, v3  }
.Ltmp4:
0x3a: {  	_ = 	snop;
	(pc) =	sbr.rel .LBB1_4-.Ltmp4, $1  }
0x3b: {  	_ =	sdelay $0x3  }
.LBB1_6:
0x3c: {  	_ =	sfence.sel $0x180000  }
0x3d: {  	s2 =	simm.s32 $0x1;
	[bflag:$0x0] =	sbarrier.arrive $0xFFFF  }
0x3e: {  	s31 =	simm.s32 $0x2;
	[sflag:s2] =	ssyncpa.u1 $0x1  }
0x3f: {  	[sflag:s31] =	ssyncpa.u1 $0x1  }
0x40: {  	p0 =	sne.s32 s0, $0x0;
	_ =	strace $0x9000004A  }
0x41: {  	s0 =	sadd.s32 @!p0 $0x100000, s1;
	[bflag:$0x2] =	sbarrier.arrive $0xFFFF  }
0x42: {  	[sflag:s0] =	ssyncadd.tile.s32 @!p0 $0x1;
	_ =	shalt  }
.Lfunc_end1:
_tile_overlayer_lowered:
.L_overlay_start_2:
0x43: {  	(tag) =	ssettag $0x2  }
0x44: {  	s0 =	rddreg [dreg:$0x0];
	s2 =	stileid.u32  }
0x45: {  	s1 =	rddreg [dreg:$0x1];
	p0 =	sne.s32 s2, $0x0  }
0x46: {  	s3 =	rddreg [dreg:$0x2];
	[bflag:$0x3] =	sbarrier.arrive $0xFFFF;
	s2 =	simm.s32 @!p0 $0x1C01  }
0x47: {  	[timem:s3], [sflag:s2] =	dma.local @!p0 [hbm:s0], s1  }
0x48: {  	s0 =	simm.s32 @!p0 $0x1  }
0x49: {  	_ =	swait.ge @!p0 [sflag:s0], s1  }
0x4a: {  	s1 =	ssub.s32 @!p0 $0x0, s1;
	[sflag:s0] =	ssyncset.done @!p0 $0x0  }
0x4b: {  	[sflag:s0] =	ssyncadd.s32 @!p0 s1  }
0x4c: {  	[bflag:$0x3] =	sbarrier.arrive $0xFFFF  }
0x4d: {  	_ =	shalt  }

</sc_bundles>
